<compile_context>
chip_gen: v7x
topology: tpu7x:2x2x1
jax: 0.10.2.dev20260603
libtpu: 0.0.44.dev20260713+nightly
codegen_flags: <defaults>
</compile_context>

<pallas_src>
import jax
import jax.numpy as jnp
from jax import lax
from jax.experimental import pallas as pl
from jax.experimental.pallas import tpu as pltpu
from jax.experimental.pallas import tpu_sc as plsc

NUM_TYPES = 10
PARAM_DIM = 4
ATOMS_PER_MOL = 20
N_ATOMS = 1_000_000

NC, NS, L = 2, 16, 16
NW = NC * NS

PAT = ATOMS_PER_MOL * PARAM_DIM
PARAMS_FLAT = N_ATOMS * PARAM_DIM
PUNIT = 25_000
P_UNITS_PER_W = PARAMS_FLAT // (PUNIT * NW)
PBUF = 25_040
PGROUPS = PBUF // PAT

MUNIT = 40_000
M_WORKERS = N_ATOMS // MUNIT
MGROUPS = MUNIT // PAT


def _sc_body(tp_hbm, ti_hbm, batch_hbm, pout_hbm, mout_hbm, bout_hbm,
             tp_v, ti_v, pbuf_v, mbuf_v, bbuf_v, psem, msem, bsem):
    w = lax.axis_index("s") * NC + lax.axis_index("c")

    @pl.when(w < M_WORKERS)
    def _batch_in():
        pltpu.async_copy(batch_hbm.at[pl.ds(w * MUNIT, MUNIT)],
                         bbuf_v, bsem)

    pltpu.sync_copy(tp_hbm, tp_v)
    pltpu.sync_copy(ti_hbm, ti_v)

    plane = w % PARAM_DIM
    sub = w // PARAM_DIM
    iota = lax.iota(jnp.int32, L)

    pvregs = []
    for k in range(PAT // L):
        m = (iota + (k * L) % ATOMS_PER_MOL) % ATOMS_PER_MOL
        t = plsc.load_gather(ti_v, [m])
        pvregs.append(plsc.load_gather(tp_v, [t * PARAM_DIM + plane]))

    def fill_params(t, _):
        for k in range(PAT // L):
            pbuf_v[pl.ds(t * PAT + k * L, L)] = pvregs[k]
        return 0

    lax.fori_loop(0, PGROUPS, fill_params, 0)

    phandles = []
    base_off = plane * N_ATOMS + sub * (N_ATOMS // (NW // PARAM_DIM))
    for t in range(P_UNITS_PER_W):
        phandles.append(
            pltpu.async_copy(pbuf_v.at[pl.ds(0, PUNIT)],
                             pout_hbm.at[pl.ds(base_off + t * PUNIT, PUNIT)],
                             psem))

    base = [(iota + k * L) // ATOMS_PER_MOL for k in range(PAT // L)]

    @pl.when(w < M_WORKERS)
    def _mol():
        mol0 = w * (MUNIT // ATOMS_PER_MOL)

        def fill_mol(t, _):
            s = mol0 + t * (PAT // ATOMS_PER_MOL)
            for k in range(PAT // L):
                mbuf_v[pl.ds(t * PAT + k * L, L)] = base[k] + s
            return 0

        lax.fori_loop(0, MGROUPS, fill_mol, 0)
        mh = pltpu.async_copy(mbuf_v, mout_hbm.at[pl.ds(w * MUNIT, MUNIT)],
                              msem)
        pltpu.make_async_copy(batch_hbm.at[pl.ds(w * MUNIT, MUNIT)],
                              bbuf_v, bsem).wait()
        pltpu.async_copy(bbuf_v, bout_hbm.at[pl.ds(w * MUNIT, MUNIT)],
                         bsem).wait()
        mh.wait()

    for h in phandles:
        h.wait()


@jax.jit
def _sc_tile(tp_flat, type_index, batch):
    mesh = plsc.VectorSubcoreMesh(core_axis_name="c", subcore_axis_name="s",
                                  num_cores=NC, num_subcores=NS)
    fn = pl.kernel(
        _sc_body,
        out_type=[jax.ShapeDtypeStruct((PARAMS_FLAT,), jnp.float32),
                  jax.ShapeDtypeStruct((N_ATOMS,), jnp.int32),
                  jax.ShapeDtypeStruct((N_ATOMS,), jnp.int32)],
        mesh=mesh,
        scratch_types=[
            pltpu.VMEM((NUM_TYPES * PARAM_DIM,), jnp.float32),
            pltpu.VMEM((ATOMS_PER_MOL,), jnp.int32),
            pltpu.VMEM((PBUF,), jnp.float32),
            pltpu.VMEM((MUNIT,), jnp.int32),
            pltpu.VMEM((MUNIT,), jnp.int32),
            pltpu.SemaphoreType.DMA,
            pltpu.SemaphoreType.DMA,
            pltpu.SemaphoreType.DMA,
        ],
        compiler_params=pltpu.CompilerParams(needs_layout_passes=False),
    )
    return fn(tp_flat, type_index, batch)


def kernel(pos, batch, type_params, type_index):
    tp_flat = type_params.reshape(-1)
    params_flat, sites_mol, sites_batch = _sc_tile(tp_flat, type_index,
                                                   batch)
    sites_params = jnp.transpose(params_flat.reshape(PARAM_DIM, N_ATOMS))
    one = (jnp.minimum(type_index[0], 0) + 1).astype(jnp.float32)
    sites_pos = pos * one
    return (sites_pos, sites_params, sites_batch, sites_mol)

# --- scband reference (transcript-rebuilt; emitter-appended) ---
"""Pipeline reference for scband-atom-centered-static-48644799594814 (READ-ONLY COPY).

The authoritative reference and input builder live on the scoring server;
editing this copy changes nothing except your own understanding.
"""

import jax, jax.numpy as jnp
import numpy as np

NUM_TYPES = 10
PARAM_DIM = 4
ATOMS_PER_MOL = 20
N_ATOMS = 1000000
N_MOLS = 50000


def setup_inputs(seed: int = 0) -> dict:
    key = jax.random.key(seed)
    k1, k2, k3 = jax.random.split(key, 3)
    pos = jax.random.normal(k1, (N_ATOMS, 3), dtype=jnp.float32)
    batch = jnp.sort(jax.random.randint(k2, (N_ATOMS,), 0, N_MOLS, dtype=jnp.int32))
    # learned parameter: per-type static params (nn.Parameter in torch)
    type_params = jnp.asarray(
        np.stack([np.array([0.01 * i, 0.02 * i, 0.03 * i, 0.04 * i], dtype=np.float32) for i in range(NUM_TYPES)]),
        dtype=jnp.float32,
    )
    # registered buffer: atom type index within one molecule
    type_index = jnp.asarray(np.arange(ATOMS_PER_MOL) % NUM_TYPES, dtype=jnp.int32)
    return {"pos": pos, "batch": batch, "type_params": type_params, "type_index": type_index}


def reference(pos, batch, type_params, type_index):
    num_atoms_per_mol = type_index.shape[0]
    num_molecules = pos.shape[0] // num_atoms_per_mol
    sites_pos = pos
    # embedding gather: per-atom params from per-type table, tiled across molecules
    per_mol_params = jnp.take(type_params, type_index, axis=0)  # [A, P]
    sites_params = jnp.tile(per_mol_params, (num_molecules, 1))  # [M*A, P]
    sites_batch = batch
    sites_mol = jnp.repeat(jnp.arange(num_molecules, dtype=jnp.int32), num_atoms_per_mol)
    return (sites_pos, sites_params, sites_batch, sites_mol)

if __name__ == "__main__":
    import jax
    _d = setup_inputs()
    print(jax.jit(kernel)(*tuple(_d.values())))

</pallas_src>

<mosaic_0001>
#map = affine_map<(d0, d1) -> (0)>
module attributes {stable_mosaic.version = 14 : i64} {
  func.func @_sc_body(%arg0: i32, %arg1: i32, %arg2: memref<40xf32, #tpu.memory_space<hbm>>, %arg3: memref<20xi32, #tpu.memory_space<hbm>>, %arg4: memref<1000000xi32, #tpu.memory_space<hbm>>, %arg5: memref<4000000xf32, #tpu.memory_space<hbm>>, %arg6: memref<1000000xi32, #tpu.memory_space<hbm>>, %arg7: memref<1000000xi32, #tpu.memory_space<hbm>>, %arg8: memref<40xf32, #tpu.memory_space<vmem>>, %arg9: memref<20xi32, #tpu.memory_space<vmem>>, %arg10: memref<25040xf32, #tpu.memory_space<vmem>>, %arg11: memref<40000xi32, #tpu.memory_space<vmem>>, %arg12: memref<40000xi32, #tpu.memory_space<vmem>>, %arg13: memref<!tpu.dma_semaphore, #tpu.memory_space<semaphore_mem>>, %arg14: memref<!tpu.dma_semaphore, #tpu.memory_space<semaphore_mem>>, %arg15: memref<!tpu.dma_semaphore, #tpu.memory_space<semaphore_mem>>) attributes {dimension_semantics = [#tpu.dimension_semantics<core_parallel>, #tpu.dimension_semantics<subcore_parallel>], iteration_bounds = array<i64: 2, 16>, scalar_prefetch = 0 : i64, scratch_operands = 8 : i64, tpu.core_type = #tpu.core_type<sc_vector_subcore>, window_params = [{transform_indices = #map}, {transform_indices = #map}, {transform_indices = #map}, {transform_indices = #map}, {transform_indices = #map}, {transform_indices = #map}]} {
    %mul3A = arith.constant 2 : i32
    %mul3A_0 = arith.muli %arg1, %mul3A : i32
    %add3A = arith.addi %mul3A_0, %arg0 : i32
    %lt3A = arith.constant 25 : i32
    %lt3A_1 = arith.cmpi slt, %add3A, %lt3A : i32
    %convert_element_type3A = arith.extui %lt3A_1 : i1 to i32
    %cond3A = arith.constant 0 : i32
    %cond3A_2 = arith.cmpi ne, %convert_element_type3A, %cond3A : i32
    scf.if %cond3A_2 {
      %mul3A_447 = arith.constant 40000 : i32
      %mul3A_448 = arith.muli %add3A, %mul3A_447 : i32
      %dma_start3A_449 = tpu.memref_slice %arg4[%mul3A_448] : memref<1000000xi32, #tpu.memory_space<hbm>> -> memref<40000xi32, #tpu.memory_space<hbm>>
      %dma_start3A_450 = tpu.memref_slice %arg4[%mul3A_448] : memref<1000000xi32, #tpu.memory_space<hbm>> -> memref<40000xi32, #tpu.memory_space<hbm>>
      tpu.enqueue_dma source(%dma_start3A_450 : memref<40000xi32, #tpu.memory_space<hbm>>) target(%arg12 : memref<40000xi32, #tpu.memory_space<vmem>>) target_semaphore(%arg15 : memref<!tpu.dma_semaphore, #tpu.memory_space<semaphore_mem>>)
    } else {
    }
    "tpu.region"() ({
      %run_scoped3A = tpu.sem_alloc : memref<!tpu.dma_semaphore, #tpu.memory_space<semaphore_mem>>
      tpu.enqueue_dma source(%arg2 : memref<40xf32, #tpu.memory_space<hbm>>) target(%arg8 : memref<40xf32, #tpu.memory_space<vmem>>) target_semaphore(%run_scoped3A : memref<!tpu.dma_semaphore, #tpu.memory_space<semaphore_mem>>)
      tpu.wait_dma2 semaphore(%run_scoped3A : memref<!tpu.dma_semaphore, #tpu.memory_space<semaphore_mem>>) src(%arg2 : memref<40xf32, #tpu.memory_space<hbm>>) dst(%arg8 : memref<40xf32, #tpu.memory_space<vmem>>)
      tpu.yield
    }) : () -> ()
    "tpu.region"() ({
      %run_scoped3A = tpu.sem_alloc : memref<!tpu.dma_semaphore, #tpu.memory_space<semaphore_mem>>
      tpu.enqueue_dma source(%arg3 : memref<20xi32, #tpu.memory_space<hbm>>) target(%arg9 : memref<20xi32, #tpu.memory_space<vmem>>) target_semaphore(%run_scoped3A : memref<!tpu.dma_semaphore, #tpu.memory_space<semaphore_mem>>)
      tpu.wait_dma2 semaphore(%run_scoped3A : memref<!tpu.dma_semaphore, #tpu.memory_space<semaphore_mem>>) src(%arg3 : memref<20xi32, #tpu.memory_space<hbm>>) dst(%arg9 : memref<20xi32, #tpu.memory_space<vmem>>)
      tpu.yield
    }) : () -> ()
    %jit3A = arith.constant 4 : i32
    %eq3A = arith.constant 0 : i32
    %eq3A_3 = arith.cmpi eq, %jit3A, %eq3A : i32
    %jit3A_4 = arith.constant 1 : i32
    %select_n3A = arith.select %eq3A_3, %jit3A_4, %jit3A : i32
    %rem3A = arith.remsi %add3A, %select_n3A : i32
    %ne3A = arith.constant 0 : i32
    %ne3A_5 = arith.cmpi ne, %rem3A, %ne3A : i32
    %lt3A_6 = arith.constant 0 : i32
    %lt3A_7 = arith.cmpi slt, %rem3A, %lt3A_6 : i32
    %lt3A_8 = arith.constant 0 : i32
    %lt3A_9 = arith.cmpi slt, %select_n3A, %lt3A_8 : i32
    %ne3A_10 = arith.xori %lt3A_7, %lt3A_9 : i1
    %and3A = arith.andi %ne3A_10, %ne3A_5 : i1
    %add3A_11 = arith.addi %rem3A, %select_n3A : i32
    %select_n3A_12 = arith.select %and3A, %add3A_11, %rem3A : i32
    %jit3A_13 = arith.constant 4 : i32
    %div3A = arith.divsi %add3A, %jit3A_13 : i32
    %sign3A = arith.constant 0 : i32
    %sign3A_14 = arith.cmpi sgt, %add3A, %sign3A : i32
    %sign3A_15 = arith.extui %sign3A_14 : i1 to i32
    %sign3A_16 = arith.constant 0 : i32
    %sign3A_17 = arith.cmpi slt, %add3A, %sign3A_16 : i32
    %sign3A_18 = arith.extui %sign3A_17 : i1 to i32
    %sign3A_19 = arith.subi %sign3A_15, %sign3A_18 : i32
    %sign3A_20 = arith.constant 0 : i32
    %sign3A_21 = arith.cmpi sgt, %jit3A_13, %sign3A_20 : i32
    %sign3A_22 = arith.extui %sign3A_21 : i1 to i32
    %sign3A_23 = arith.constant 0 : i32
    %sign3A_24 = arith.cmpi slt, %jit3A_13, %sign3A_23 : i32
    %sign3A_25 = arith.extui %sign3A_24 : i1 to i32
    %sign3A_26 = arith.subi %sign3A_22, %sign3A_25 : i32
    %ne3A_27 = arith.cmpi ne, %sign3A_19, %sign3A_26 : i32
    %rem3A_28 = arith.remsi %add3A, %jit3A_13 : i32
    %ne3A_29 = arith.constant 0 : i32
    %ne3A_30 = arith.cmpi ne, %rem3A_28, %ne3A_29 : i32
    %and3A_31 = arith.andi %ne3A_27, %ne3A_30 : i1
    %sub3A = arith.constant 1 : i32
    %sub3A_32 = arith.subi %div3A, %sub3A : i32
    %select_n3A_33 = arith.select %and3A_31, %sub3A_32, %div3A : i32
    %iota3A = tpu.iota {dimensions = array<i32: 0>} : vector<16xi32>
    %add3A_34 = arith.constant 0 : i32
    %add3A_35 = vector.broadcast %add3A_34 : i32 to vector<16xi32>
    %add3A_36 = arith.addi %iota3A, %add3A_35 : vector<16xi32>
    %jit3A_37 = arith.constant 20 : i32
    %eq3A_38 = arith.constant 0 : i32
    %eq3A_39 = arith.cmpi eq, %jit3A_37, %eq3A_38 : i32
    %jit3A_40 = arith.constant 1 : i32
    %select_n3A_41 = arith.select %eq3A_39, %jit3A_40, %jit3A_37 : i32
    %rem3A_42 = vector.broadcast %select_n3A_41 : i32 to vector<16xi32>
    %rem3A_43 = arith.remsi %add3A_36, %rem3A_42 : vector<16xi32>
    %ne3A_44 = arith.constant 0 : i32
    %ne3A_45 = vector.broadcast %ne3A_44 : i32 to vector<16xi32>
    %ne3A_46 = arith.cmpi ne, %rem3A_43, %ne3A_45 : vector<16xi32>
    %lt3A_47 = arith.constant 0 : i32
    %lt3A_48 = vector.broadcast %lt3A_47 : i32 to vector<16xi32>
    %lt3A_49 = arith.cmpi slt, %rem3A_43, %lt3A_48 : vector<16xi32>
    %lt3A_50 = arith.constant 0 : i32
    %lt3A_51 = arith.cmpi slt, %select_n3A_41, %lt3A_50 : i32
    %ne3A_52 = vector.broadcast %lt3A_51 : i1 to vector<16xi1>
    %ne3A_53 = vector.broadcast %ne3A_52 : vector<16xi1> to vector<16xi1>
    %ne3A_54 = arith.xori %lt3A_49, %ne3A_53 : vector<16xi1>
    %and3A_55 = arith.andi %ne3A_54, %ne3A_46 : vector<16xi1>
    %add3A_56 = vector.broadcast %select_n3A_41 : i32 to vector<16xi32>
    %add3A_57 = arith.addi %rem3A_43, %add3A_56 : vector<16xi32>
    %select_n3A_58 = arith.select %and3A_55, %add3A_57, %rem3A_43 : vector<16xi1>, vector<16xi32>
    %gather3A = tpu.vector_load_idx %arg9[%select_n3A_58] : memref<20xi32, #tpu.memory_space<vmem>>[vector<16xi32>], vector<16xi32>,
    %mul3A_59 = arith.constant 4 : i32
    %mul3A_60 = vector.broadcast %mul3A_59 : i32 to vector<16xi32>
    %mul3A_61 = arith.muli %gather3A, %mul3A_60 : vector<16xi32>
    %add3A_62 = vector.broadcast %select_n3A_12 : i32 to vector<16xi32>
    %add3A_63 = arith.addi %mul3A_61, %add3A_62 : vector<16xi32>
    %gather3A_64 = tpu.vector_load_idx %arg8[%add3A_63] : memref<40xf32, #tpu.memory_space<vmem>>[vector<16xi32>], vector<16xf32>,
    %add3A_65 = arith.constant 16 : i32
    %add3A_66 = vector.broadcast %add3A_65 : i32 to vector<16xi32>
    %add3A_67 = arith.addi %iota3A, %add3A_66 : vector<16xi32>
    %jit3A_68 = arith.constant 20 : i32
    %eq3A_69 = arith.constant 0 : i32
    %eq3A_70 = arith.cmpi eq, %jit3A_68, %eq3A_69 : i32
    %jit3A_71 = arith.constant 1 : i32
    %select_n3A_72 = arith.select %eq3A_70, %jit3A_71, %jit3A_68 : i32
    %rem3A_73 = vector.broadcast %select_n3A_72 : i32 to vector<16xi32>
    %rem3A_74 = arith.remsi %add3A_67, %rem3A_73 : vector<16xi32>
    %ne3A_75 = arith.constant 0 : i32
    %ne3A_76 = vector.broadcast %ne3A_75 : i32 to vector<16xi32>
    %ne3A_77 = arith.cmpi ne, %rem3A_74, %ne3A_76 : vector<16xi32>
    %lt3A_78 = arith.constant 0 : i32
    %lt3A_79 = vector.broadcast %lt3A_78 : i32 to vector<16xi32>
    %lt3A_80 = arith.cmpi slt, %rem3A_74, %lt3A_79 : vector<16xi32>
    %lt3A_81 = arith.constant 0 : i32
    %lt3A_82 = arith.cmpi slt, %select_n3A_72, %lt3A_81 : i32
    %ne3A_83 = vector.broadcast %lt3A_82 : i1 to vector<16xi1>
    %ne3A_84 = vector.broadcast %ne3A_83 : vector<16xi1> to vector<16xi1>
    %ne3A_85 = arith.xori %lt3A_80, %ne3A_84 : vector<16xi1>
    %and3A_86 = arith.andi %ne3A_85, %ne3A_77 : vector<16xi1>
    %add3A_87 = vector.broadcast %select_n3A_72 : i32 to vector<16xi32>
    %add3A_88 = arith.addi %rem3A_74, %add3A_87 : vector<16xi32>
    %select_n3A_89 = arith.select %and3A_86, %add3A_88, %rem3A_74 : vector<16xi1>, vector<16xi32>
    %gather3A_90 = tpu.vector_load_idx %arg9[%select_n3A_89] : memref<20xi32, #tpu.memory_space<vmem>>[vector<16xi32>], vector<16xi32>,
    %mul3A_91 = arith.constant 4 : i32
    %mul3A_92 = vector.broadcast %mul3A_91 : i32 to vector<16xi32>
    %mul3A_93 = arith.muli %gather3A_90, %mul3A_92 : vector<16xi32>
    %add3A_94 = vector.broadcast %select_n3A_12 : i32 to vector<16xi32>
    %add3A_95 = arith.addi %mul3A_93, %add3A_94 : vector<16xi32>
    %gather3A_96 = tpu.vector_load_idx %arg8[%add3A_95] : memref<40xf32, #tpu.memory_space<vmem>>[vector<16xi32>], vector<16xf32>,
    %add3A_97 = arith.constant 12 : i32
    %add3A_98 = vector.broadcast %add3A_97 : i32 to vector<16xi32>
    %add3A_99 = arith.addi %iota3A, %add3A_98 : vector<16xi32>
    %jit3A_100 = arith.constant 20 : i32
    %eq3A_101 = arith.constant 0 : i32
    %eq3A_102 = arith.cmpi eq, %jit3A_100, %eq3A_101 : i32
    %jit3A_103 = arith.constant 1 : i32
    %select_n3A_104 = arith.select %eq3A_102, %jit3A_103, %jit3A_100 : i32
    %rem3A_105 = vector.broadcast %select_n3A_104 : i32 to vector<16xi32>
    %rem3A_106 = arith.remsi %add3A_99, %rem3A_105 : vector<16xi32>
    %ne3A_107 = arith.constant 0 : i32
    %ne3A_108 = vector.broadcast %ne3A_107 : i32 to vector<16xi32>
    %ne3A_109 = arith.cmpi ne, %rem3A_106, %ne3A_108 : vector<16xi32>
    %lt3A_110 = arith.constant 0 : i32
    %lt3A_111 = vector.broadcast %lt3A_110 : i32 to vector<16xi32>
    %lt3A_112 = arith.cmpi slt, %rem3A_106, %lt3A_111 : vector<16xi32>
    %lt3A_113 = arith.constant 0 : i32
    %lt3A_114 = arith.cmpi slt, %select_n3A_104, %lt3A_113 : i32
    %ne3A_115 = vector.broadcast %lt3A_114 : i1 to vector<16xi1>
    %ne3A_116 = vector.broadcast %ne3A_115 : vector<16xi1> to vector<16xi1>
    %ne3A_117 = arith.xori %lt3A_112, %ne3A_116 : vector<16xi1>
    %and3A_118 = arith.andi %ne3A_117, %ne3A_109 : vector<16xi1>
    %add3A_119 = vector.broadcast %select_n3A_104 : i32 to vector<16xi32>
    %add3A_120 = arith.addi %rem3A_106, %add3A_119 : vector<16xi32>
    %select_n3A_121 = arith.select %and3A_118, %add3A_120, %rem3A_106 : vector<16xi1>, vector<16xi32>
    %gather3A_122 = tpu.vector_load_idx %arg9[%select_n3A_121] : memref<20xi32, #tpu.memory_space<vmem>>[vector<16xi32>], vector<16xi32>,
    %mul3A_123 = arith.constant 4 : i32
    %mul3A_124 = vector.broadcast %mul3A_123 : i32 to vector<16xi32>
    %mul3A_125 = arith.muli %gather3A_122, %mul3A_124 : vector<16xi32>
    %add3A_126 = vector.broadcast %select_n3A_12 : i32 to vector<16xi32>
    %add3A_127 = arith.addi %mul3A_125, %add3A_126 : vector<16xi32>
    %gather3A_128 = tpu.vector_load_idx %arg8[%add3A_127] : memref<40xf32, #tpu.memory_space<vmem>>[vector<16xi32>], vector<16xf32>,
    %add3A_129 = arith.constant 8 : i32
    %add3A_130 = vector.broadcast %add3A_129 : i32 to vector<16xi32>
    %add3A_131 = arith.addi %iota3A, %add3A_130 : vector<16xi32>
    %jit3A_132 = arith.constant 20 : i32
    %eq3A_133 = arith.constant 0 : i32
    %eq3A_134 = arith.cmpi eq, %jit3A_132, %eq3A_133 : i32
    %jit3A_135 = arith.constant 1 : i32
    %select_n3A_136 = arith.select %eq3A_134, %jit3A_135, %jit3A_132 : i32
    %rem3A_137 = vector.broadcast %select_n3A_136 : i32 to vector<16xi32>
    %rem3A_138 = arith.remsi %add3A_131, %rem3A_137 : vector<16xi32>
    %ne3A_139 = arith.constant 0 : i32
    %ne3A_140 = vector.broadcast %ne3A_139 : i32 to vector<16xi32>
    %ne3A_141 = arith.cmpi ne, %rem3A_138, %ne3A_140 : vector<16xi32>
    %lt3A_142 = arith.constant 0 : i32
    %lt3A_143 = vector.broadcast %lt3A_142 : i32 to vector<16xi32>
    %lt3A_144 = arith.cmpi slt, %rem3A_138, %lt3A_143 : vector<16xi32>
    %lt3A_145 = arith.constant 0 : i32
    %lt3A_146 = arith.cmpi slt, %select_n3A_136, %lt3A_145 : i32
    %ne3A_147 = vector.broadcast %lt3A_146 : i1 to vector<16xi1>
    %ne3A_148 = vector.broadcast %ne3A_147 : vector<16xi1> to vector<16xi1>
    %ne3A_149 = arith.xori %lt3A_144, %ne3A_148 : vector<16xi1>
    %and3A_150 = arith.andi %ne3A_149, %ne3A_141 : vector<16xi1>
    %add3A_151 = vector.broadcast %select_n3A_136 : i32 to vector<16xi32>
    %add3A_152 = arith.addi %rem3A_138, %add3A_151 : vector<16xi32>
    %select_n3A_153 = arith.select %and3A_150, %add3A_152, %rem3A_138 : vector<16xi1>, vector<16xi32>
    %gather3A_154 = tpu.vector_load_idx %arg9[%select_n3A_153] : memref<20xi32, #tpu.memory_space<vmem>>[vector<16xi32>], vector<16xi32>,
    %mul3A_155 = arith.constant 4 : i32
    %mul3A_156 = vector.broadcast %mul3A_155 : i32 to vector<16xi32>
    %mul3A_157 = arith.muli %gather3A_154, %mul3A_156 : vector<16xi32>
    %add3A_158 = vector.broadcast %select_n3A_12 : i32 to vector<16xi32>
    %add3A_159 = arith.addi %mul3A_157, %add3A_158 : vector<16xi32>
    %gather3A_160 = tpu.vector_load_idx %arg8[%add3A_159] : memref<40xf32, #tpu.memory_space<vmem>>[vector<16xi32>], vector<16xf32>,
    %add3A_161 = arith.constant 4 : i32
    %add3A_162 = vector.broadcast %add3A_161 : i32 to vector<16xi32>
    %add3A_163 = arith.addi %iota3A, %add3A_162 : vector<16xi32>
    %jit3A_164 = arith.constant 20 : i32
    %eq3A_165 = arith.constant 0 : i32
    %eq3A_166 = arith.cmpi eq, %jit3A_164, %eq3A_165 : i32
    %jit3A_167 = arith.constant 1 : i32
    %select_n3A_168 = arith.select %eq3A_166, %jit3A_167, %jit3A_164 : i32
    %rem3A_169 = vector.broadcast %select_n3A_168 : i32 to vector<16xi32>
    %rem3A_170 = arith.remsi %add3A_163, %rem3A_169 : vector<16xi32>
    %ne3A_171 = arith.constant 0 : i32
    %ne3A_172 = vector.broadcast %ne3A_171 : i32 to vector<16xi32>
    %ne3A_173 = arith.cmpi ne, %rem3A_170, %ne3A_172 : vector<16xi32>
    %lt3A_174 = arith.constant 0 : i32
    %lt3A_175 = vector.broadcast %lt3A_174 : i32 to vector<16xi32>
    %lt3A_176 = arith.cmpi slt, %rem3A_170, %lt3A_175 : vector<16xi32>
    %lt3A_177 = arith.constant 0 : i32
    %lt3A_178 = arith.cmpi slt, %select_n3A_168, %lt3A_177 : i32
    %ne3A_179 = vector.broadcast %lt3A_178 : i1 to vector<16xi1>
    %ne3A_180 = vector.broadcast %ne3A_179 : vector<16xi1> to vector<16xi1>
    %ne3A_181 = arith.xori %lt3A_176, %ne3A_180 : vector<16xi1>
    %and3A_182 = arith.andi %ne3A_181, %ne3A_173 : vector<16xi1>
    %add3A_183 = vector.broadcast %select_n3A_168 : i32 to vector<16xi32>
    %add3A_184 = arith.addi %rem3A_170, %add3A_183 : vector<16xi32>
    %select_n3A_185 = arith.select %and3A_182, %add3A_184, %rem3A_170 : vector<16xi1>, vector<16xi32>
    %gather3A_186 = tpu.vector_load_idx %arg9[%select_n3A_185] : memref<20xi32, #tpu.memory_space<vmem>>[vector<16xi32>], vector<16xi32>,
    %mul3A_187 = arith.constant 4 : i32
    %mul3A_188 = vector.broadcast %mul3A_187 : i32 to vector<16xi32>
    %mul3A_189 = arith.muli %gather3A_186, %mul3A_188 : vector<16xi32>
    %add3A_190 = vector.broadcast %select_n3A_12 : i32 to vector<16xi32>
    %add3A_191 = arith.addi %mul3A_189, %add3A_190 : vector<16xi32>
    %gather3A_192 = tpu.vector_load_idx %arg8[%add3A_191] : memref<40xf32, #tpu.memory_space<vmem>>[vector<16xi32>], vector<16xf32>,
    %scan3A = arith.constant 0 : i32
    %scan3A_193 = arith.constant 0 : i32
    %scan3A_194 = arith.constant 313 : i32
    %scan3A_195 = arith.addi %scan3A_193, %scan3A_194 : i32
    %scan3A_196 = arith.constant 1 : i32
    %scan3A_197 = scf.for %scan3A_447 = %scan3A_193 to %scan3A_195 step %scan3A_196 iter_args(%scan3A_448 = %scan3A) -> (i32)  : i32 {
      %mul3A_449 = arith.constant 80 : i32
      %mul3A_450 = arith.muli %scan3A_447, %mul3A_449 : i32
      %add3A_451 = arith.constant 0 : i32
      %add3A_452 = arith.addi %mul3A_450, %add3A_451 : i32
      %swap3A = arith.index_cast %add3A_452 : i32 to index
      %swap3A_453 = tpu.vector_load %arg10[%swap3A] {strides = array<i32>} : memref<25040xf32, #tpu.memory_space<vmem>>, vector<16xf32>,
      tpu.vector_store %arg10[%swap3A], %gather3A_64 {strides = array<i32>} : memref<25040xf32, #tpu.memory_space<vmem>>, vector<16xf32>,
      %mul3A_454 = arith.constant 80 : i32
      %mul3A_455 = arith.muli %scan3A_447, %mul3A_454 : i32
      %add3A_456 = arith.constant 16 : i32
      %add3A_457 = arith.addi %mul3A_455, %add3A_456 : i32
      %swap3A_458 = arith.index_cast %add3A_457 : i32 to index
      %swap3A_459 = tpu.vector_load %arg10[%swap3A_458] {strides = array<i32>} : memref<25040xf32, #tpu.memory_space<vmem>>, vector<16xf32>,
      tpu.vector_store %arg10[%swap3A_458], %gather3A_96 {strides = array<i32>} : memref<25040xf32, #tpu.memory_space<vmem>>, vector<16xf32>,
      %mul3A_460 = arith.constant 80 : i32
      %mul3A_461 = arith.muli %scan3A_447, %mul3A_460 : i32
      %add3A_462 = arith.constant 32 : i32
      %add3A_463 = arith.addi %mul3A_461, %add3A_462 : i32
      %swap3A_464 = arith.index_cast %add3A_463 : i32 to index
      %swap3A_465 = tpu.vector_load %arg10[%swap3A_464] {strides = array<i32>} : memref<25040xf32, #tpu.memory_space<vmem>>, vector<16xf32>,
      tpu.vector_store %arg10[%swap3A_464], %gather3A_128 {strides = array<i32>} : memref<25040xf32, #tpu.memory_space<vmem>>, vector<16xf32>,
      %mul3A_466 = arith.constant 80 : i32
      %mul3A_467 = arith.muli %scan3A_447, %mul3A_466 : i32
      %add3A_468 = arith.constant 48 : i32
      %add3A_469 = arith.addi %mul3A_467, %add3A_468 : i32
      %swap3A_470 = arith.index_cast %add3A_469 : i32 to index
      %swap3A_471 = tpu.vector_load %arg10[%swap3A_470] {strides = array<i32>} : memref<25040xf32, #tpu.memory_space<vmem>>, vector<16xf32>,
      tpu.vector_store %arg10[%swap3A_470], %gather3A_160 {strides = array<i32>} : memref<25040xf32, #tpu.memory_space<vmem>>, vector<16xf32>,
      %mul3A_472 = arith.constant 80 : i32
      %mul3A_473 = arith.muli %scan3A_447, %mul3A_472 : i32
      %add3A_474 = arith.constant 64 : i32
      %add3A_475 = arith.addi %mul3A_473, %add3A_474 : i32
      %swap3A_476 = arith.index_cast %add3A_475 : i32 to index
      %swap3A_477 = tpu.vector_load %arg10[%swap3A_476] {strides = array<i32>} : memref<25040xf32, #tpu.memory_space<vmem>>, vector<16xf32>,
      tpu.vector_store %arg10[%swap3A_476], %gather3A_192 {strides = array<i32>} : memref<25040xf32, #tpu.memory_space<vmem>>, vector<16xf32>,
      %scan3A_478 = arith.constant 0 : i32
      scf.yield %scan3A_478 : i32
    }
    %scan3A_198 = arith.constant 313 : i32
    %mul3A_199 = arith.constant 1000000 : i32
    %mul3A_200 = arith.muli %select_n3A_12, %mul3A_199 : i32
    %mul3A_201 = arith.constant 125000 : i32
    %mul3A_202 = arith.muli %select_n3A_33, %mul3A_201 : i32
    %add3A_203 = arith.addi %mul3A_200, %mul3A_202 : i32
    %add3A_204 = arith.constant 0 : i32
    %add3A_205 = arith.addi %add3A_203, %add3A_204 : i32
    %dma_start3A = arith.constant 0 : i32
    %dma_start3A_206 = tpu.memref_slice %arg10[%dma_start3A] : memref<25040xf32, #tpu.memory_space<vmem>> -> memref<25000xf32, #tpu.memory_space<vmem>>
    %dma_start3A_207 = tpu.memref_slice %arg5[%add3A_205] : memref<4000000xf32, #tpu.memory_space<hbm>> -> memref<25000xf32, #tpu.memory_space<hbm>>
    %dma_start3A_208 = tpu.memref_slice %arg5[%add3A_205] : memref<4000000xf32, #tpu.memory_space<hbm>> -> memref<25000xf32, #tpu.memory_space<hbm>>
    %dma_start3A_209 = arith.constant 0 : i32
    %dma_start3A_210 = tpu.memref_slice %arg10[%dma_start3A_209] : memref<25040xf32, #tpu.memory_space<vmem>> -> memref<25000xf32, #tpu.memory_space<vmem>>
    tpu.enqueue_dma source(%dma_start3A_210 : memref<25000xf32, #tpu.memory_space<vmem>>) target(%dma_start3A_208 : memref<25000xf32, #tpu.memory_space<hbm>>) target_semaphore(%arg13 : memref<!tpu.dma_semaphore, #tpu.memory_space<semaphore_mem>>)
    %add3A_211 = arith.constant 25000 : i32
    %add3A_212 = arith.addi %add3A_203, %add3A_211 : i32
    %dma_start3A_213 = arith.constant 0 : i32
    %dma_start3A_214 = tpu.memref_slice %arg10[%dma_start3A_213] : memref<25040xf32, #tpu.memory_space<vmem>> -> memref<25000xf32, #tpu.memory_space<vmem>>
    %dma_start3A_215 = tpu.memref_slice %arg5[%add3A_212] : memref<4000000xf32, #tpu.memory_space<hbm>> -> memref<25000xf32, #tpu.memory_space<hbm>>
    %dma_start3A_216 = tpu.memref_slice %arg5[%add3A_212] : memref<4000000xf32, #tpu.memory_space<hbm>> -> memref<25000xf32, #tpu.memory_space<hbm>>
    %dma_start3A_217 = arith.constant 0 : i32
    %dma_start3A_218 = tpu.memref_slice %arg10[%dma_start3A_217] : memref<25040xf32, #tpu.memory_space<vmem>> -> memref<25000xf32, #tpu.memory_space<vmem>>
    tpu.enqueue_dma source(%dma_start3A_218 : memref<25000xf32, #tpu.memory_space<vmem>>) target(%dma_start3A_216 : memref<25000xf32, #tpu.memory_space<hbm>>) target_semaphore(%arg13 : memref<!tpu.dma_semaphore, #tpu.memory_space<semaphore_mem>>)
    %add3A_219 = arith.constant 50000 : i32
    %add3A_220 = arith.addi %add3A_203, %add3A_219 : i32
    %dma_start3A_221 = arith.constant 0 : i32
    %dma_start3A_222 = tpu.memref_slice %arg10[%dma_start3A_221] : memref<25040xf32, #tpu.memory_space<vmem>> -> memref<25000xf32, #tpu.memory_space<vmem>>
    %dma_start3A_223 = tpu.memref_slice %arg5[%add3A_220] : memref<4000000xf32, #tpu.memory_space<hbm>> -> memref<25000xf32, #tpu.memory_space<hbm>>
    %dma_start3A_224 = tpu.memref_slice %arg5[%add3A_220] : memref<4000000xf32, #tpu.memory_space<hbm>> -> memref<25000xf32, #tpu.memory_space<hbm>>
    %dma_start3A_225 = arith.constant 0 : i32
    %dma_start3A_226 = tpu.memref_slice %arg10[%dma_start3A_225] : memref<25040xf32, #tpu.memory_space<vmem>> -> memref<25000xf32, #tpu.memory_space<vmem>>
    tpu.enqueue_dma source(%dma_start3A_226 : memref<25000xf32, #tpu.memory_space<vmem>>) target(%dma_start3A_224 : memref<25000xf32, #tpu.memory_space<hbm>>) target_semaphore(%arg13 : memref<!tpu.dma_semaphore, #tpu.memory_space<semaphore_mem>>)
    %add3A_227 = arith.constant 75000 : i32
    %add3A_228 = arith.addi %add3A_203, %add3A_227 : i32
    %dma_start3A_229 = arith.constant 0 : i32
    %dma_start3A_230 = tpu.memref_slice %arg10[%dma_start3A_229] : memref<25040xf32, #tpu.memory_space<vmem>> -> memref<25000xf32, #tpu.memory_space<vmem>>
    %dma_start3A_231 = tpu.memref_slice %arg5[%add3A_228] : memref<4000000xf32, #tpu.memory_space<hbm>> -> memref<25000xf32, #tpu.memory_space<hbm>>
    %dma_start3A_232 = tpu.memref_slice %arg5[%add3A_228] : memref<4000000xf32, #tpu.memory_space<hbm>> -> memref<25000xf32, #tpu.memory_space<hbm>>
    %dma_start3A_233 = arith.constant 0 : i32
    %dma_start3A_234 = tpu.memref_slice %arg10[%dma_start3A_233] : memref<25040xf32, #tpu.memory_space<vmem>> -> memref<25000xf32, #tpu.memory_space<vmem>>
    tpu.enqueue_dma source(%dma_start3A_234 : memref<25000xf32, #tpu.memory_space<vmem>>) target(%dma_start3A_232 : memref<25000xf32, #tpu.memory_space<hbm>>) target_semaphore(%arg13 : memref<!tpu.dma_semaphore, #tpu.memory_space<semaphore_mem>>)
    %add3A_235 = arith.constant 100000 : i32
    %add3A_236 = arith.addi %add3A_203, %add3A_235 : i32
    %dma_start3A_237 = arith.constant 0 : i32
    %dma_start3A_238 = tpu.memref_slice %arg10[%dma_start3A_237] : memref<25040xf32, #tpu.memory_space<vmem>> -> memref<25000xf32, #tpu.memory_space<vmem>>
    %dma_start3A_239 = tpu.memref_slice %arg5[%add3A_236] : memref<4000000xf32, #tpu.memory_space<hbm>> -> memref<25000xf32, #tpu.memory_space<hbm>>
    %dma_start3A_240 = tpu.memref_slice %arg5[%add3A_236] : memref<4000000xf32, #tpu.memory_space<hbm>> -> memref<25000xf32, #tpu.memory_space<hbm>>
    %dma_start3A_241 = arith.constant 0 : i32
    %dma_start3A_242 = tpu.memref_slice %arg10[%dma_start3A_241] : memref<25040xf32, #tpu.memory_space<vmem>> -> memref<25000xf32, #tpu.memory_space<vmem>>
    tpu.enqueue_dma source(%dma_start3A_242 : memref<25000xf32, #tpu.memory_space<vmem>>) target(%dma_start3A_240 : memref<25000xf32, #tpu.memory_space<hbm>>) target_semaphore(%arg13 : memref<!tpu.dma_semaphore, #tpu.memory_space<semaphore_mem>>)
    %add3A_243 = arith.constant 0 : i32
    %add3A_244 = vector.broadcast %add3A_243 : i32 to vector<16xi32>
    %add3A_245 = arith.addi %iota3A, %add3A_244 : vector<16xi32>
    %jit3A_246 = arith.constant 20 : i32
    %div3A_247 = vector.broadcast %jit3A_246 : i32 to vector<16xi32>
    %div3A_248 = arith.divsi %add3A_245, %div3A_247 : vector<16xi32>
    %sign3A_249 = arith.constant 0 : i32
    %sign3A_250 = vector.broadcast %sign3A_249 : i32 to vector<16xi32>
    %sign3A_251 = arith.cmpi sgt, %add3A_245, %sign3A_250 : vector<16xi32>
    %sign3A_252 = arith.extui %sign3A_251 : vector<16xi1> to vector<16xi32>
    %sign3A_253 = arith.constant 0 : i32
    %sign3A_254 = vector.broadcast %sign3A_253 : i32 to vector<16xi32>
    %sign3A_255 = arith.cmpi slt, %add3A_245, %sign3A_254 : vector<16xi32>
    %sign3A_256 = arith.extui %sign3A_255 : vector<16xi1> to vector<16xi32>
    %sign3A_257 = arith.subi %sign3A_252, %sign3A_256 : vector<16xi32>
    %sign3A_258 = arith.constant 0 : i32
    %sign3A_259 = arith.cmpi sgt, %jit3A_246, %sign3A_258 : i32
    %sign3A_260 = arith.extui %sign3A_259 : i1 to i32
    %sign3A_261 = arith.constant 0 : i32
    %sign3A_262 = arith.cmpi slt, %jit3A_246, %sign3A_261 : i32
    %sign3A_263 = arith.extui %sign3A_262 : i1 to i32
    %sign3A_264 = arith.subi %sign3A_260, %sign3A_263 : i32
    %ne3A_265 = vector.broadcast %sign3A_264 : i32 to vector<16xi32>
    %ne3A_266 = arith.cmpi ne, %sign3A_257, %ne3A_265 : vector<16xi32>
    %rem3A_267 = vector.broadcast %jit3A_246 : i32 to vector<16xi32>
    %rem3A_268 = arith.remsi %add3A_245, %rem3A_267 : vector<16xi32>
    %ne3A_269 = arith.constant 0 : i32
    %ne3A_270 = vector.broadcast %ne3A_269 : i32 to vector<16xi32>
    %ne3A_271 = arith.cmpi ne, %rem3A_268, %ne3A_270 : vector<16xi32>
    %and3A_272 = arith.andi %ne3A_266, %ne3A_271 : vector<16xi1>
    %sub3A_273 = arith.constant 1 : i32
    %sub3A_274 = vector.broadcast %sub3A_273 : i32 to vector<16xi32>
    %sub3A_275 = arith.subi %div3A_248, %sub3A_274 : vector<16xi32>
    %select_n3A_276 = arith.select %and3A_272, %sub3A_275, %div3A_248 : vector<16xi1>, vector<16xi32>
    %add3A_277 = arith.constant 16 : i32
    %add3A_278 = vector.broadcast %add3A_277 : i32 to vector<16xi32>
    %add3A_279 = arith.addi %iota3A, %add3A_278 : vector<16xi32>
    %jit3A_280 = arith.constant 20 : i32
    %div3A_281 = vector.broadcast %jit3A_280 : i32 to vector<16xi32>
    %div3A_282 = arith.divsi %add3A_279, %div3A_281 : vector<16xi32>
    %sign3A_283 = arith.constant 0 : i32
    %sign3A_284 = vector.broadcast %sign3A_283 : i32 to vector<16xi32>
    %sign3A_285 = arith.cmpi sgt, %add3A_279, %sign3A_284 : vector<16xi32>
    %sign3A_286 = arith.extui %sign3A_285 : vector<16xi1> to vector<16xi32>
    %sign3A_287 = arith.constant 0 : i32
    %sign3A_288 = vector.broadcast %sign3A_287 : i32 to vector<16xi32>
    %sign3A_289 = arith.cmpi slt, %add3A_279, %sign3A_288 : vector<16xi32>
    %sign3A_290 = arith.extui %sign3A_289 : vector<16xi1> to vector<16xi32>
    %sign3A_291 = arith.subi %sign3A_286, %sign3A_290 : vector<16xi32>
    %sign3A_292 = arith.constant 0 : i32
    %sign3A_293 = arith.cmpi sgt, %jit3A_280, %sign3A_292 : i32
    %sign3A_294 = arith.extui %sign3A_293 : i1 to i32
    %sign3A_295 = arith.constant 0 : i32
    %sign3A_296 = arith.cmpi slt, %jit3A_280, %sign3A_295 : i32
    %sign3A_297 = arith.extui %sign3A_296 : i1 to i32
    %sign3A_298 = arith.subi %sign3A_294, %sign3A_297 : i32
    %ne3A_299 = vector.broadcast %sign3A_298 : i32 to vector<16xi32>
    %ne3A_300 = arith.cmpi ne, %sign3A_291, %ne3A_299 : vector<16xi32>
    %rem3A_301 = vector.broadcast %jit3A_280 : i32 to vector<16xi32>
    %rem3A_302 = arith.remsi %add3A_279, %rem3A_301 : vector<16xi32>
    %ne3A_303 = arith.constant 0 : i32
    %ne3A_304 = vector.broadcast %ne3A_303 : i32 to vector<16xi32>
    %ne3A_305 = arith.cmpi ne, %rem3A_302, %ne3A_304 : vector<16xi32>
    %and3A_306 = arith.andi %ne3A_300, %ne3A_305 : vector<16xi1>
    %sub3A_307 = arith.constant 1 : i32
    %sub3A_308 = vector.broadcast %sub3A_307 : i32 to vector<16xi32>
    %sub3A_309 = arith.subi %div3A_282, %sub3A_308 : vector<16xi32>
    %select_n3A_310 = arith.select %and3A_306, %sub3A_309, %div3A_282 : vector<16xi1>, vector<16xi32>
    %add3A_311 = arith.constant 32 : i32
    %add3A_312 = vector.broadcast %add3A_311 : i32 to vector<16xi32>
    %add3A_313 = arith.addi %iota3A, %add3A_312 : vector<16xi32>
    %jit3A_314 = arith.constant 20 : i32
    %div3A_315 = vector.broadcast %jit3A_314 : i32 to vector<16xi32>
    %div3A_316 = arith.divsi %add3A_313, %div3A_315 : vector<16xi32>
    %sign3A_317 = arith.constant 0 : i32
    %sign3A_318 = vector.broadcast %sign3A_317 : i32 to vector<16xi32>
    %sign3A_319 = arith.cmpi sgt, %add3A_313, %sign3A_318 : vector<16xi32>
    %sign3A_320 = arith.extui %sign3A_319 : vector<16xi1> to vector<16xi32>
    %sign3A_321 = arith.constant 0 : i32
    %sign3A_322 = vector.broadcast %sign3A_321 : i32 to vector<16xi32>
    %sign3A_323 = arith.cmpi slt, %add3A_313, %sign3A_322 : vector<16xi32>
    %sign3A_324 = arith.extui %sign3A_323 : vector<16xi1> to vector<16xi32>
    %sign3A_325 = arith.subi %sign3A_320, %sign3A_324 : vector<16xi32>
    %sign3A_326 = arith.constant 0 : i32
    %sign3A_327 = arith.cmpi sgt, %jit3A_314, %sign3A_326 : i32
    %sign3A_328 = arith.extui %sign3A_327 : i1 to i32
    %sign3A_329 = arith.constant 0 : i32
    %sign3A_330 = arith.cmpi slt, %jit3A_314, %sign3A_329 : i32
    %sign3A_331 = arith.extui %sign3A_330 : i1 to i32
    %sign3A_332 = arith.subi %sign3A_328, %sign3A_331 : i32
    %ne3A_333 = vector.broadcast %sign3A_332 : i32 to vector<16xi32>
    %ne3A_334 = arith.cmpi ne, %sign3A_325, %ne3A_333 : vector<16xi32>
    %rem3A_335 = vector.broadcast %jit3A_314 : i32 to vector<16xi32>
    %rem3A_336 = arith.remsi %add3A_313, %rem3A_335 : vector<16xi32>
    %ne3A_337 = arith.constant 0 : i32
    %ne3A_338 = vector.broadcast %ne3A_337 : i32 to vector<16xi32>
    %ne3A_339 = arith.cmpi ne, %rem3A_336, %ne3A_338 : vector<16xi32>
    %and3A_340 = arith.andi %ne3A_334, %ne3A_339 : vector<16xi1>
    %sub3A_341 = arith.constant 1 : i32
    %sub3A_342 = vector.broadcast %sub3A_341 : i32 to vector<16xi32>
    %sub3A_343 = arith.subi %div3A_316, %sub3A_342 : vector<16xi32>
    %select_n3A_344 = arith.select %and3A_340, %sub3A_343, %div3A_316 : vector<16xi1>, vector<16xi32>
    %add3A_345 = arith.constant 48 : i32
    %add3A_346 = vector.broadcast %add3A_345 : i32 to vector<16xi32>
    %add3A_347 = arith.addi %iota3A, %add3A_346 : vector<16xi32>
    %jit3A_348 = arith.constant 20 : i32
    %div3A_349 = vector.broadcast %jit3A_348 : i32 to vector<16xi32>
    %div3A_350 = arith.divsi %add3A_347, %div3A_349 : vector<16xi32>
    %sign3A_351 = arith.constant 0 : i32
    %sign3A_352 = vector.broadcast %sign3A_351 : i32 to vector<16xi32>
    %sign3A_353 = arith.cmpi sgt, %add3A_347, %sign3A_352 : vector<16xi32>
    %sign3A_354 = arith.extui %sign3A_353 : vector<16xi1> to vector<16xi32>
    %sign3A_355 = arith.constant 0 : i32
    %sign3A_356 = vector.broadcast %sign3A_355 : i32 to vector<16xi32>
    %sign3A_357 = arith.cmpi slt, %add3A_347, %sign3A_356 : vector<16xi32>
    %sign3A_358 = arith.extui %sign3A_357 : vector<16xi1> to vector<16xi32>
    %sign3A_359 = arith.subi %sign3A_354, %sign3A_358 : vector<16xi32>
    %sign3A_360 = arith.constant 0 : i32
    %sign3A_361 = arith.cmpi sgt, %jit3A_348, %sign3A_360 : i32
    %sign3A_362 = arith.extui %sign3A_361 : i1 to i32
    %sign3A_363 = arith.constant 0 : i32
    %sign3A_364 = arith.cmpi slt, %jit3A_348, %sign3A_363 : i32
    %sign3A_365 = arith.extui %sign3A_364 : i1 to i32
    %sign3A_366 = arith.subi %sign3A_362, %sign3A_365 : i32
    %ne3A_367 = vector.broadcast %sign3A_366 : i32 to vector<16xi32>
    %ne3A_368 = arith.cmpi ne, %sign3A_359, %ne3A_367 : vector<16xi32>
    %rem3A_369 = vector.broadcast %jit3A_348 : i32 to vector<16xi32>
    %rem3A_370 = arith.remsi %add3A_347, %rem3A_369 : vector<16xi32>
    %ne3A_371 = arith.constant 0 : i32
    %ne3A_372 = vector.broadcast %ne3A_371 : i32 to vector<16xi32>
    %ne3A_373 = arith.cmpi ne, %rem3A_370, %ne3A_372 : vector<16xi32>
    %and3A_374 = arith.andi %ne3A_368, %ne3A_373 : vector<16xi1>
    %sub3A_375 = arith.constant 1 : i32
    %sub3A_376 = vector.broadcast %sub3A_375 : i32 to vector<16xi32>
    %sub3A_377 = arith.subi %div3A_350, %sub3A_376 : vector<16xi32>
    %select_n3A_378 = arith.select %and3A_374, %sub3A_377, %div3A_350 : vector<16xi1>, vector<16xi32>
    %add3A_379 = arith.constant 64 : i32
    %add3A_380 = vector.broadcast %add3A_379 : i32 to vector<16xi32>
    %add3A_381 = arith.addi %iota3A, %add3A_380 : vector<16xi32>
    %jit3A_382 = arith.constant 20 : i32
    %div3A_383 = vector.broadcast %jit3A_382 : i32 to vector<16xi32>
    %div3A_384 = arith.divsi %add3A_381, %div3A_383 : vector<16xi32>
    %sign3A_385 = arith.constant 0 : i32
    %sign3A_386 = vector.broadcast %sign3A_385 : i32 to vector<16xi32>
    %sign3A_387 = arith.cmpi sgt, %add3A_381, %sign3A_386 : vector<16xi32>
    %sign3A_388 = arith.extui %sign3A_387 : vector<16xi1> to vector<16xi32>
    %sign3A_389 = arith.constant 0 : i32
    %sign3A_390 = vector.broadcast %sign3A_389 : i32 to vector<16xi32>
    %sign3A_391 = arith.cmpi slt, %add3A_381, %sign3A_390 : vector<16xi32>
    %sign3A_392 = arith.extui %sign3A_391 : vector<16xi1> to vector<16xi32>
    %sign3A_393 = arith.subi %sign3A_388, %sign3A_392 : vector<16xi32>
    %sign3A_394 = arith.constant 0 : i32
    %sign3A_395 = arith.cmpi sgt, %jit3A_382, %sign3A_394 : i32
    %sign3A_396 = arith.extui %sign3A_395 : i1 to i32
    %sign3A_397 = arith.constant 0 : i32
    %sign3A_398 = arith.cmpi slt, %jit3A_382, %sign3A_397 : i32
    %sign3A_399 = arith.extui %sign3A_398 : i1 to i32
    %sign3A_400 = arith.subi %sign3A_396, %sign3A_399 : i32
    %ne3A_401 = vector.broadcast %sign3A_400 : i32 to vector<16xi32>
    %ne3A_402 = arith.cmpi ne, %sign3A_393, %ne3A_401 : vector<16xi32>
    %rem3A_403 = vector.broadcast %jit3A_382 : i32 to vector<16xi32>
    %rem3A_404 = arith.remsi %add3A_381, %rem3A_403 : vector<16xi32>
    %ne3A_405 = arith.constant 0 : i32
    %ne3A_406 = vector.broadcast %ne3A_405 : i32 to vector<16xi32>
    %ne3A_407 = arith.cmpi ne, %rem3A_404, %ne3A_406 : vector<16xi32>
    %and3A_408 = arith.andi %ne3A_402, %ne3A_407 : vector<16xi1>
    %sub3A_409 = arith.constant 1 : i32
    %sub3A_410 = vector.broadcast %sub3A_409 : i32 to vector<16xi32>
    %sub3A_411 = arith.subi %div3A_384, %sub3A_410 : vector<16xi32>
    %select_n3A_412 = arith.select %and3A_408, %sub3A_411, %div3A_384 : vector<16xi1>, vector<16xi32>
    %lt3A_413 = arith.constant 25 : i32
    %lt3A_414 = arith.cmpi slt, %add3A, %lt3A_413 : i32
    %convert_element_type3A_415 = arith.extui %lt3A_414 : i1 to i32
    %cond3A_416 = arith.constant 0 : i32
    %cond3A_417 = arith.cmpi ne, %convert_element_type3A_415, %cond3A_416 : i32
    scf.if %cond3A_417 {
      %mul3A_447 = arith.constant 2000 : i32
      %mul3A_448 = arith.muli %add3A, %mul3A_447 : i32
      %scan3A_449 = arith.constant 0 : i32
      %scan3A_450 = arith.constant 0 : i32
      %scan3A_451 = arith.constant 500 : i32
      %scan3A_452 = arith.addi %scan3A_450, %scan3A_451 : i32
      %scan3A_453 = arith.constant 1 : i32
      %scan3A_454 = scf.for %scan3A_472 = %scan3A_450 to %scan3A_452 step %scan3A_453 iter_args(%scan3A_473 = %scan3A_449) -> (i32)  : i32 {
        %mul3A_474 = arith.constant 4 : i32
        %mul3A_475 = arith.muli %scan3A_472, %mul3A_474 : i32
        %add3A_476 = arith.addi %mul3A_448, %mul3A_475 : i32
        %add3A_477 = vector.broadcast %add3A_476 : i32 to vector<16xi32>
        %add3A_478 = arith.addi %select_n3A_276, %add3A_477 : vector<16xi32>
        %mul3A_479 = arith.constant 80 : i32
        %mul3A_480 = arith.muli %scan3A_472, %mul3A_479 : i32
        %add3A_481 = arith.constant 0 : i32
        %add3A_482 = arith.addi %mul3A_480, %add3A_481 : i32
        %swap3A = arith.index_cast %add3A_482 : i32 to index
        %swap3A_483 = tpu.vector_load %arg11[%swap3A] {strides = array<i32>} : memref<40000xi32, #tpu.memory_space<vmem>>, vector<16xi32>,
        tpu.vector_store %arg11[%swap3A], %add3A_478 {strides = array<i32>} : memref<40000xi32, #tpu.memory_space<vmem>>, vector<16xi32>,
        %add3A_484 = vector.broadcast %add3A_476 : i32 to vector<16xi32>
        %add3A_485 = arith.addi %select_n3A_310, %add3A_484 : vector<16xi32>
        %mul3A_486 = arith.constant 80 : i32
        %mul3A_487 = arith.muli %scan3A_472, %mul3A_486 : i32
        %add3A_488 = arith.constant 16 : i32
        %add3A_489 = arith.addi %mul3A_487, %add3A_488 : i32
        %swap3A_490 = arith.index_cast %add3A_489 : i32 to index
        %swap3A_491 = tpu.vector_load %arg11[%swap3A_490] {strides = array<i32>} : memref<40000xi32, #tpu.memory_space<vmem>>, vector<16xi32>,
        tpu.vector_store %arg11[%swap3A_490], %add3A_485 {strides = array<i32>} : memref<40000xi32, #tpu.memory_space<vmem>>, vector<16xi32>,
        %add3A_492 = vector.broadcast %add3A_476 : i32 to vector<16xi32>
        %add3A_493 = arith.addi %select_n3A_344, %add3A_492 : vector<16xi32>
        %mul3A_494 = arith.constant 80 : i32
        %mul3A_495 = arith.muli %scan3A_472, %mul3A_494 : i32
        %add3A_496 = arith.constant 32 : i32
        %add3A_497 = arith.addi %mul3A_495, %add3A_496 : i32
        %swap3A_498 = arith.index_cast %add3A_497 : i32 to index
        %swap3A_499 = tpu.vector_load %arg11[%swap3A_498] {strides = array<i32>} : memref<40000xi32, #tpu.memory_space<vmem>>, vector<16xi32>,
        tpu.vector_store %arg11[%swap3A_498], %add3A_493 {strides = array<i32>} : memref<40000xi32, #tpu.memory_space<vmem>>, vector<16xi32>,
        %add3A_500 = vector.broadcast %add3A_476 : i32 to vector<16xi32>
        %add3A_501 = arith.addi %select_n3A_378, %add3A_500 : vector<16xi32>
        %mul3A_502 = arith.constant 80 : i32
        %mul3A_503 = arith.muli %scan3A_472, %mul3A_502 : i32
        %add3A_504 = arith.constant 48 : i32
        %add3A_505 = arith.addi %mul3A_503, %add3A_504 : i32
        %swap3A_506 = arith.index_cast %add3A_505 : i32 to index
        %swap3A_507 = tpu.vector_load %arg11[%swap3A_506] {strides = array<i32>} : memref<40000xi32, #tpu.memory_space<vmem>>, vector<16xi32>,
        tpu.vector_store %arg11[%swap3A_506], %add3A_501 {strides = array<i32>} : memref<40000xi32, #tpu.memory_space<vmem>>, vector<16xi32>,
        %add3A_508 = vector.broadcast %add3A_476 : i32 to vector<16xi32>
        %add3A_509 = arith.addi %select_n3A_412, %add3A_508 : vector<16xi32>
        %mul3A_510 = arith.constant 80 : i32
        %mul3A_511 = arith.muli %scan3A_472, %mul3A_510 : i32
        %add3A_512 = arith.constant 64 : i32
        %add3A_513 = arith.addi %mul3A_511, %add3A_512 : i32
        %swap3A_514 = arith.index_cast %add3A_513 : i32 to index
        %swap3A_515 = tpu.vector_load %arg11[%swap3A_514] {strides = array<i32>} : memref<40000xi32, #tpu.memory_space<vmem>>, vector<16xi32>,
        tpu.vector_store %arg11[%swap3A_514], %add3A_509 {strides = array<i32>} : memref<40000xi32, #tpu.memory_space<vmem>>, vector<16xi32>,
        %scan3A_516 = arith.constant 0 : i32
        scf.yield %scan3A_516 : i32
      }
      %scan3A_455 = arith.constant 500 : i32
      %mul3A_456 = arith.constant 40000 : i32
      %mul3A_457 = arith.muli %add3A, %mul3A_456 : i32
      %dma_start3A_458 = tpu.memref_slice %arg6[%mul3A_457] : memref<1000000xi32, #tpu.memory_space<hbm>> -> memref<40000xi32, #tpu.memory_space<hbm>>
      %dma_start3A_459 = tpu.memref_slice %arg6[%mul3A_457] : memref<1000000xi32, #tpu.memory_space<hbm>> -> memref<40000xi32, #tpu.memory_space<hbm>>
      tpu.enqueue_dma source(%arg11 : memref<40000xi32, #tpu.memory_space<vmem>>) target(%dma_start3A_459 : memref<40000xi32, #tpu.memory_space<hbm>>) target_semaphore(%arg14 : memref<!tpu.dma_semaphore, #tpu.memory_space<semaphore_mem>>)
      %mul3A_460 = arith.constant 40000 : i32
      %mul3A_461 = arith.muli %add3A, %mul3A_460 : i32
      %dma_wait3A_462 = tpu.memref_slice %arg4[%mul3A_461] : memref<1000000xi32, #tpu.memory_space<hbm>> -> memref<40000xi32, #tpu.memory_space<hbm>>
      %dma_wait3A_463 = tpu.memref_slice %arg4[%mul3A_461] : memref<1000000xi32, #tpu.memory_space<hbm>> -> memref<40000xi32, #tpu.memory_space<hbm>>
      tpu.wait_dma2 semaphore(%arg15 : memref<!tpu.dma_semaphore, #tpu.memory_space<semaphore_mem>>) src(%dma_wait3A_463 : memref<40000xi32, #tpu.memory_space<hbm>>) dst(%arg12 : memref<40000xi32, #tpu.memory_space<vmem>>)
      %mul3A_464 = arith.constant 40000 : i32
      %mul3A_465 = arith.muli %add3A, %mul3A_464 : i32
      %dma_start3A_466 = tpu.memref_slice %arg7[%mul3A_465] : memref<1000000xi32, #tpu.memory_space<hbm>> -> memref<40000xi32, #tpu.memory_space<hbm>>
      %dma_start3A_467 = tpu.memref_slice %arg7[%mul3A_465] : memref<1000000xi32, #tpu.memory_space<hbm>> -> memref<40000xi32, #tpu.memory_space<hbm>>
      tpu.enqueue_dma source(%arg12 : memref<40000xi32, #tpu.memory_space<vmem>>) target(%dma_start3A_467 : memref<40000xi32, #tpu.memory_space<hbm>>) target_semaphore(%arg15 : memref<!tpu.dma_semaphore, #tpu.memory_space<semaphore_mem>>)
      %dma_wait3A_468 = tpu.memref_slice %arg7[%mul3A_465] : memref<1000000xi32, #tpu.memory_space<hbm>> -> memref<40000xi32, #tpu.memory_space<hbm>>
      %dma_wait3A_469 = tpu.memref_slice %arg7[%mul3A_465] : memref<1000000xi32, #tpu.memory_space<hbm>> -> memref<40000xi32, #tpu.memory_space<hbm>>
      tpu.wait_dma2 semaphore(%arg15 : memref<!tpu.dma_semaphore, #tpu.memory_space<semaphore_mem>>) src(%arg12 : memref<40000xi32, #tpu.memory_space<vmem>>) dst(%dma_wait3A_469 : memref<40000xi32, #tpu.memory_space<hbm>>)
      %dma_wait3A_470 = tpu.memref_slice %arg6[%mul3A_457] : memref<1000000xi32, #tpu.memory_space<hbm>> -> memref<40000xi32, #tpu.memory_space<hbm>>
      %dma_wait3A_471 = tpu.memref_slice %arg6[%mul3A_457] : memref<1000000xi32, #tpu.memory_space<hbm>> -> memref<40000xi32, #tpu.memory_space<hbm>>
      tpu.wait_dma2 semaphore(%arg14 : memref<!tpu.dma_semaphore, #tpu.memory_space<semaphore_mem>>) src(%arg11 : memref<40000xi32, #tpu.memory_space<vmem>>) dst(%dma_wait3A_471 : memref<40000xi32, #tpu.memory_space<hbm>>)
    } else {
    }
    %dma_wait3A = arith.constant 0 : i32
    %dma_wait3A_418 = tpu.memref_slice %arg10[%dma_wait3A] : memref<25040xf32, #tpu.memory_space<vmem>> -> memref<25000xf32, #tpu.memory_space<vmem>>
    %dma_wait3A_419 = tpu.memref_slice %arg5[%add3A_205] : memref<4000000xf32, #tpu.memory_space<hbm>> -> memref<25000xf32, #tpu.memory_space<hbm>>
    %dma_wait3A_420 = tpu.memref_slice %arg5[%add3A_205] : memref<4000000xf32, #tpu.memory_space<hbm>> -> memref<25000xf32, #tpu.memory_space<hbm>>
    %dma_wait3A_421 = arith.constant 0 : i32
    %dma_wait3A_422 = tpu.memref_slice %arg10[%dma_wait3A_421] : memref<25040xf32, #tpu.memory_space<vmem>> -> memref<25000xf32, #tpu.memory_space<vmem>>
    tpu.wait_dma2 semaphore(%arg13 : memref<!tpu.dma_semaphore, #tpu.memory_space<semaphore_mem>>) src(%dma_wait3A_422 : memref<25000xf32, #tpu.memory_space<vmem>>) dst(%dma_wait3A_420 : memref<25000xf32, #tpu.memory_space<hbm>>)
    %dma_wait3A_423 = arith.constant 0 : i32
    %dma_wait3A_424 = tpu.memref_slice %arg10[%dma_wait3A_423] : memref<25040xf32, #tpu.memory_space<vmem>> -> memref<25000xf32, #tpu.memory_space<vmem>>
    %dma_wait3A_425 = tpu.memref_slice %arg5[%add3A_212] : memref<4000000xf32, #tpu.memory_space<hbm>> -> memref<25000xf32, #tpu.memory_space<hbm>>
    %dma_wait3A_426 = tpu.memref_slice %arg5[%add3A_212] : memref<4000000xf32, #tpu.memory_space<hbm>> -> memref<25000xf32, #tpu.memory_space<hbm>>
    %dma_wait3A_427 = arith.constant 0 : i32
    %dma_wait3A_428 = tpu.memref_slice %arg10[%dma_wait3A_427] : memref<25040xf32, #tpu.memory_space<vmem>> -> memref<25000xf32, #tpu.memory_space<vmem>>
    tpu.wait_dma2 semaphore(%arg13 : memref<!tpu.dma_semaphore, #tpu.memory_space<semaphore_mem>>) src(%dma_wait3A_428 : memref<25000xf32, #tpu.memory_space<vmem>>) dst(%dma_wait3A_426 : memref<25000xf32, #tpu.memory_space<hbm>>)
    %dma_wait3A_429 = arith.constant 0 : i32
    %dma_wait3A_430 = tpu.memref_slice %arg10[%dma_wait3A_429] : memref<25040xf32, #tpu.memory_space<vmem>> -> memref<25000xf32, #tpu.memory_space<vmem>>
    %dma_wait3A_431 = tpu.memref_slice %arg5[%add3A_220] : memref<4000000xf32, #tpu.memory_space<hbm>> -> memref<25000xf32, #tpu.memory_space<hbm>>
    %dma_wait3A_432 = tpu.memref_slice %arg5[%add3A_220] : memref<4000000xf32, #tpu.memory_space<hbm>> -> memref<25000xf32, #tpu.memory_space<hbm>>
    %dma_wait3A_433 = arith.constant 0 : i32
    %dma_wait3A_434 = tpu.memref_slice %arg10[%dma_wait3A_433] : memref<25040xf32, #tpu.memory_space<vmem>> -> memref<25000xf32, #tpu.memory_space<vmem>>
    tpu.wait_dma2 semaphore(%arg13 : memref<!tpu.dma_semaphore, #tpu.memory_space<semaphore_mem>>) src(%dma_wait3A_434 : memref<25000xf32, #tpu.memory_space<vmem>>) dst(%dma_wait3A_432 : memref<25000xf32, #tpu.memory_space<hbm>>)
    %dma_wait3A_435 = arith.constant 0 : i32
    %dma_wait3A_436 = tpu.memref_slice %arg10[%dma_wait3A_435] : memref<25040xf32, #tpu.memory_space<vmem>> -> memref<25000xf32, #tpu.memory_space<vmem>>
    %dma_wait3A_437 = tpu.memref_slice %arg5[%add3A_228] : memref<4000000xf32, #tpu.memory_space<hbm>> -> memref<25000xf32, #tpu.memory_space<hbm>>
    %dma_wait3A_438 = tpu.memref_slice %arg5[%add3A_228] : memref<4000000xf32, #tpu.memory_space<hbm>> -> memref<25000xf32, #tpu.memory_space<hbm>>
    %dma_wait3A_439 = arith.constant 0 : i32
    %dma_wait3A_440 = tpu.memref_slice %arg10[%dma_wait3A_439] : memref<25040xf32, #tpu.memory_space<vmem>> -> memref<25000xf32, #tpu.memory_space<vmem>>
    tpu.wait_dma2 semaphore(%arg13 : memref<!tpu.dma_semaphore, #tpu.memory_space<semaphore_mem>>) src(%dma_wait3A_440 : memref<25000xf32, #tpu.memory_space<vmem>>) dst(%dma_wait3A_438 : memref<25000xf32, #tpu.memory_space<hbm>>)
    %dma_wait3A_441 = arith.constant 0 : i32
    %dma_wait3A_442 = tpu.memref_slice %arg10[%dma_wait3A_441] : memref<25040xf32, #tpu.memory_space<vmem>> -> memref<25000xf32, #tpu.memory_space<vmem>>
    %dma_wait3A_443 = tpu.memref_slice %arg5[%add3A_236] : memref<4000000xf32, #tpu.memory_space<hbm>> -> memref<25000xf32, #tpu.memory_space<hbm>>
    %dma_wait3A_444 = tpu.memref_slice %arg5[%add3A_236] : memref<4000000xf32, #tpu.memory_space<hbm>> -> memref<25000xf32, #tpu.memory_space<hbm>>
    %dma_wait3A_445 = arith.constant 0 : i32
    %dma_wait3A_446 = tpu.memref_slice %arg10[%dma_wait3A_445] : memref<25040xf32, #tpu.memory_space<vmem>> -> memref<25000xf32, #tpu.memory_space<vmem>>
    tpu.wait_dma2 semaphore(%arg13 : memref<!tpu.dma_semaphore, #tpu.memory_space<semaphore_mem>>) src(%dma_wait3A_446 : memref<25000xf32, #tpu.memory_space<vmem>>) dst(%dma_wait3A_444 : memref<25000xf32, #tpu.memory_space<hbm>>)
    return
  }
}

</mosaic_0001>

<sc_bundles>
// kernel: _sc_tile.3.cloned.1.call-start
scs
__scs_entry_jumppad:
0x0: {  	(pc) =	sbr.rel $0x88, $3  }
0x1: {  	(tag) =	ssettag $0x0;
	lr =	simm.s32 $0x1  }
0x2: {  	[smem:$0x3F9E] =	sst lr;
	_ =	strace $0xD0000000  }
0x3: {  	_ = 	snop  }
0x4: {  	_ = 	snop  }
0x5: {  	_ = 	snop  }
0x6: {  	_ = 	snop  }
0x7: {  	_ = 	snop  }
__scs_overlays_trampoline_lowered:
0x8: {  	[smem:$0x3FAD] =	sst s0  }
0x9: {  	[smem:$0x3FAE] =	sst s1  }
0xa: {  	[smem:$0x3FAF] =	sst s2  }
0xb: {  	[smem:$0x3FB0] =	sst s3  }
0xc: {  	[smem:$0x3FB1] =	sst s4  }
0xd: {  	[smem:$0x3FB2] =	sst s5  }
0xe: {  	[smem:$0x3FB3] =	sst s6  }
0xf: {  	[smem:$0x3FB4] =	sst s7  }
0x10: {  	[smem:$0x3FB5] =	sst s8  }
0x11: {  	[smem:$0x3FB6] =	sst s9;
	s0 =	simm.s32 @!p0 $0x0  }
0x12: {  	s1 =	sld [smem:$0x3F9C];
	s0 =	simm.s32 @p0 $0x1  }
0x13: {  	[smem:$0x3FB7] =	sst s0;
	s0 =	simm.s32 @!p1 $0x0  }
0x14: {  	s2 =	sld [smem:$0x3F9B];
	s0 =	simm.s32 @p1 $0x1  }
0x15: {  	[smem:$0x3FB8] =	sst s0;
	s0 =	simm.s32 @!p2 $0x0  }
0x16: {  	s3 =	sld [smem:$0x3FDB];
	s0 =	simm.s32 @p2 $0x1  }
0x17: {  	s4 =	simm.s32 $0x1BF5;
	[smem:$0x3FBA] =	sst s0  }
0x18: {  	s0 =	sld [smem:$0x3F9D];
	_ =	swait.ge [sflag:s4], $0x0  }
0x19: {  	s7 =	sld [smem:$0x3F9E]  }
0x1a: {  	s8 =	sadd.s32 $0xFFFFE003, lr  }
0x1b: {  	s9 =	sadd.s32 $0xFFFFFEF7, lr;
	s5 =	simm.s32 $0xFFFFFFFF;
	p2 =	slt.u32 s8, $0xFFFFF086  }
0x1c: {  	p1 =	slt.u32 s9, $0xF7A;
	s5 =	simm.s32 @!p2 $0x0  }
0x1d: {  	s5 =	simm.s32 @p1 $0x1;
	p0 =	seq.s32 s7, s2  }
0x1e: {  	s7 =	smul.u32 @!p0 $0xF7A, s2;
	p2 =	seq.s32 @!p0 s5, $0x0  }
0x1f: {  	s9 =	smul.u32 $0xF7A, s1;
	s8 =	simm.s32 @!p0 $0x1BF5;
	p2 =	por !p2, p0  }
0x20: {  	[sflag:s8] =	ssyncset.s32 @!p0 $0xFFFFF086;
	s6 =	sadd.s32 @!p0 s3, s7;
	s7 =	simm.s32 @!p0 $0x108  }
0x21: {  	s3 =	sadd.s32 s3, s9;
	s6 =	sadd.s32 @!p0 $0x88, s6;
	s7 =	simm.s32 @p2 $0x1082  }
0x22: {  	[simem:s7], [sflag:s8] =	dma.local @!p0 [hbm:s6], $0xF7A  }
0x23: {  	s9 =	sor.u32 $0xD0000000, s2;
	s6 =	simm.s32 $0x108;
	_ =	swait.ge @!p0 [sflag:s8], $0x0  }
0x24: {  	s3 =	sadd.s32 $0x88, s3;
	s6 =	simm.s32 @!p1 $0x1082;
	[sflag:s4] =	ssyncset.s32 $0xFFFFF086  }
0x25: {  	[simem:s6], [sflag:s4] =	dma.local [hbm:s3], $0xF7A  }
0x26: {  	[smem:$0x3F9E] =	sst s1;
	(tag) =	ssettag s2;
	_ =	strace s9  }
0x27: {  	s1 =	sld [smem:$0x3FAE]  }
0x28: {  	s2 =	sld [smem:$0x3FAF]  }
0x29: {  	s4 =	sld [smem:$0x3FB1]  }
0x2a: {  	p0 =	seq.s32 s5, $0x0;
	s5 =	sld [smem:$0x3FB2]  }
0x2b: {  	s6 =	sld [smem:$0x3FB3]  }
0x2c: {  	s7 =	sld [smem:$0x3FB4]  }
0x2d: {  	s3 =	simm.s32 $0x108;
	s8 =	sld [smem:$0x3FB5]  }
0x2e: {  	s3 =	simm.s32 @!p0 $0x1082;
	s9 =	sld [smem:$0x3FB6]  }
0x2f: {  	lr =	sadd.s32 s0, s3;
	s0 =	sld [smem:$0x3FAD]  }
0x30: {  	s3 =	sld [smem:$0x3FB0]  }
0x31: {  	[smem:$0x3FB9] =	sst s10  }
0x32: {  	s10 =	sld [smem:$0x3FB7];
	_ =	sdelay $0x3  }
0x33: {  	p0 =	seq.s32 s10, $0x1;
	s10 =	sld [smem:$0x3FB9];
	_ =	sdelay $0x3  }
0x34: {  	[smem:$0x3FB9] =	sst s10  }
0x35: {  	s10 =	sld [smem:$0x3FB8];
	_ =	sdelay $0x3  }
0x36: {  	p1 =	seq.s32 s10, $0x1;
	s10 =	sld [smem:$0x3FB9];
	_ =	sdelay $0x3  }
0x37: {  	[smem:$0x3FB9] =	sst s10  }
0x38: {  	s10 =	sld [smem:$0x3FBA]  }
0x39: {  	_ = 	snop;
	(pc) =	sbr.ind lr, $3  }
0x3a: {  	_ = 	snop  }
0x3b: {  	_ = 	snop  }
0x3c: {  	p2 =	seq.s32 s10, $0x1;
	s10 =	sld [smem:$0x3FB9]  }
0x3d: {  	_ =	shalt  }
0x3e: {  	_ =	shalt  }
0x3f: {  	_ =	shalt  }
0x40: {  	_ =	shalt  }
0x41: {  	_ =	shalt  }
0x42: {  	_ =	shalt  }
0x43: {  	_ =	shalt  }
0x44: {  	_ =	shalt  }
0x45: {  	_ =	shalt  }
0x46: {  	_ =	shalt  }
0x47: {  	_ =	shalt  }
0x48: {  	_ =	shalt  }
0x49: {  	_ =	shalt  }
0x4a: {  	_ =	shalt  }
0x4b: {  	_ =	shalt  }
0x4c: {  	_ =	shalt  }
0x4d: {  	_ =	shalt  }
0x4e: {  	_ =	shalt  }
0x4f: {  	_ =	shalt  }
0x50: {  	_ =	shalt  }
0x51: {  	_ =	shalt  }
0x52: {  	_ =	shalt  }
0x53: {  	_ =	shalt  }
0x54: {  	_ =	shalt  }
0x55: {  	_ =	shalt  }
0x56: {  	_ =	shalt  }
0x57: {  	_ =	shalt  }
0x58: {  	_ =	shalt  }
0x59: {  	_ =	shalt  }
0x5a: {  	_ =	shalt  }
0x5b: {  	_ =	shalt  }
0x5c: {  	_ =	shalt  }
0x5d: {  	_ =	shalt  }
0x5e: {  	_ =	shalt  }
0x5f: {  	_ =	shalt  }
0x60: {  	_ =	shalt  }
0x61: {  	_ =	shalt  }
0x62: {  	_ =	shalt  }
0x63: {  	_ =	shalt  }
0x64: {  	_ =	shalt  }
0x65: {  	_ =	shalt  }
0x66: {  	_ =	shalt  }
0x67: {  	_ =	shalt  }
0x68: {  	_ =	shalt  }
0x69: {  	_ =	shalt  }
0x6a: {  	_ =	shalt  }
0x6b: {  	_ =	shalt  }
0x6c: {  	_ =	shalt  }
0x6d: {  	_ =	shalt  }
0x6e: {  	_ =	shalt  }
0x6f: {  	_ =	shalt  }
0x70: {  	_ =	shalt  }
0x71: {  	_ =	shalt  }
0x72: {  	_ =	shalt  }
0x73: {  	_ =	shalt  }
0x74: {  	_ =	shalt  }
0x75: {  	_ =	shalt  }
0x76: {  	_ =	shalt  }
0x77: {  	_ =	shalt  }
0x78: {  	_ =	shalt  }
0x79: {  	_ =	shalt  }
0x7a: {  	_ =	shalt  }
0x7b: {  	_ =	shalt  }
0x7c: {  	_ =	shalt  }
0x7d: {  	_ =	shalt  }
0x7e: {  	_ =	shalt  }
0x7f: {  	_ =	shalt  }
0x80: {  	_ =	shalt  }
0x81: {  	_ =	shalt  }
0x82: {  	_ =	shalt  }
0x83: {  	_ =	shalt  }
0x84: {  	_ =	shalt  }
0x85: {  	_ =	shalt  }
0x86: {  	_ =	shalt  }
0x87: {  	_ =	shalt  }
.Lfunc_end0:
.L_simem_size_0:
called_computation_lowered:
.L_overlay_start_0:
0x88: {  	s2 =	sld [smem:$0x3FD9]  }
0x89: {  	s3 =	sld [smem:$0x3FFE];
	_ =	sdelay $0x1  }
0x8a: {  	s1 =	srdreg.scid  }
0x8b: {  	s0 =	sand.u32 $0x1, s1  }
0x8c: {  	s15 =	sshll.u32 s0, $0xA;
	s2 =	sadd.s32 s3, s2  }
0x8d: {  	s2 =	sadd.s32 s2, s15  }
0x8e: {  	[smem:$0x3FC5] =	sst s2  }
0x8f: {  	_ = 	snop  }
0x90: {  	s2 =	sld [smem:$0x3FD0]  }
0x91: {  	s16 =	sld [smem:$0x3FC9]  }
0x92: {  	s4 =	sld [smem:$0x3FC8]  }
0x93: {  	s6 =	simm.s32 $0xA;
	s7 =	simm.s32 $0x10;
	s5 =	sld [smem:$0x3FC7]  }
0x94: {  	[smem:s7], [sflag:s6] =	dma.local [hbm:s2], $0x1  }
0x95: {  	_ =	swait.eq [sflag:s6], $0x1  }
0x96: {  	s17 =	sld [smem:$0x10];
	[sflag:s6] =	ssyncset.done $0x0  }
0x97: {  	s18 =	sld [smem:$0x11];
	[sflag:s6] =	ssyncadd.s32 $0xFFFFFFFF  }
0x98: {  	s19 =	sld [smem:$0x12];
	(tm) =	ssettm $0x1  }
0x99: {  	s8 =	sld [smem:$0x3FFB];
	_ =	sdelay $0x3  }
0x9a: {  	_ =	strace s8  }
0x9b: {  	s8 =	sld [smem:$0x3FFC];
	_ =	sdelay $0x3  }
0x9c: {  	_ =	strace s8  }
0x9d: {  	s8 =	sld [smem:$0x3FFD];
	_ =	sdelay $0x3  }
0x9e: {  	_ =	strace s8  }
0x9f: {  	_ =	strace $0x8FFFFFFF  }
0xa0: {  	s20 =	sld [smem:$0x3FDB];
	_ =	sdelay $0x1  }
0xa1: {  	s9 =	simm.s32 $_scs_section_size  }
0xa2: {  	s10 =	simm.s32 $_size__tile_overlayer_lowered;
	s11 =	simm.s32 $_tile_overlayer_lowered  }
0xa3: {  	s23 =	simm.s32 $0x1BFF;
	s22 =	sshll.u32 s11, $0x1;
	s8 =	sadd.s32 s9, s20  }
0xa4: {  	s12 =	simm.s32 $0x0;
	s21 =	sshll.u32 s10, $0x1;
	s10 =	sadd.s32 s22, s8  }
0xa5: {  	[timem:s12], [sflag:s23] =	dma.local [hbm:s10], s21  }
0xa6: {  	_ =	swait.ge [sflag:s23], s21  }
0xa7: {  	s9 =	ssub.s32 $0x0, s21;
	[sflag:s23] =	ssyncset.done $0x0  }
0xa8: {  	[sflag:s23] =	ssyncadd.s32 s9;
	_ =	sdelay $0x1  }
0xa9: {  	s24 =	simm.s32 $0x1B8B  }
0xaa: {  	_ =	swait.ge [sflag:s24], $0x1  }
0xab: {  	[sflag:s24] =	ssyncset.done $0x0  }
0xac: {  	s25 =	simm.s32 $0x1B8E;
	[sflag:s24] =	ssyncadd.s32 $0xFFFFFFFF  }
0xad: {  	s26 =	simm.s32 $execute0_lowered;
	[smem:$0x3FD2] =	sst s25  }
0xae: {  	s9 =	sshll.u32 s26, $0x1;
	_ =	strace $0x80000046;
	[dreg:$0x1] =	wrdreg $0xFFFFFFFF  }
0xaf: {  	s28 =	simm.s32 $_size_execute0_lowered;
	s8 =	sadd.s32 s8, s9;
	[dreg:$0x0] =	wrdreg $0x0  }
0xb0: {  	s9 =	sshll.u32 s28, $0x1;
	[dreg:$0x2] =	wrdreg s8  }
0xb1: {  	[dreg:$0x3] =	wrdreg s9  }
0xb2: {  	[dreg:$0x4] =	wrdreg $0xC0  }
0xb3: {  	_ =	task [dreg:s12], $0x5FFFF  }
0xb4: {  	[dreg:$0x1] =	wrdreg $0xFFFFFFFF  }
0xb5: {  	[dreg:$0x0] =	wrdreg $0x60  }
0xb6: {  	[dreg:$0x2] =	wrdreg s16  }
0xb7: {  	[dreg:$0x3] =	wrdreg s4  }
0xb8: {  	[dreg:$0x4] =	wrdreg s5  }
0xb9: {  	[dreg:$0x5] =	wrdreg s17  }
0xba: {  	[dreg:$0x6] =	wrdreg s18  }
0xbb: {  	[dreg:$0x7] =	wrdreg s19  }
0xbc: {  	[dreg:$0x8] =	wrdreg $0x9  }
0xbd: {  	_ =	task.clear_ibuf [dreg:s12], $0x9FFFF;
	_ =	strace $0x90000046  }
0xbe: {  	s29 =	simm.s32 $0x9;
	_ =	strace $0x80000048  }
0xbf: {  	_ =	swait.ge [sflag:s29], $0x1  }
0xc0: {  	[sflag:s29] =	ssyncadd.s32 $0xFFFFFFFF  }
0xc1: {  	_ =	strace $0x90000048  }
0xc2: {  	_ =	sfence  }
0xc3: {  	s30 =	sld [smem:$0x0];
	_ =	sdelay $0x2  }
0xc4: {  	s31 =	sshll.u32 s1, $0xD;
	s1 =	sshrl.u32 s1, $0x2  }
0xc5: {  	s3 =	sand.u32 $0x4000, s31;
	s1 =	sadd.s32 s1, s30  }
0xc6: {  	s0 =	sor.u32 s3, s0;
	s1 =	sshll.u32 s1, $0x11  }
0xc7: {  	s0 =	sor.u32 s1, s0  }
0xc8: {  	s0 =	sadd.s32 $0x8F2B, s0  }
0xc9: {  	[sflag:s0] =	ssyncadd.remote.s32 $0x1  }
0xca: {  	_ =	sfence.sel $0xFFFF  }
0xcb: {  	[dreg:$0x0] =	wrdreg $0xFFFFFFFF;
	(pc) =	sbr.abs _section_cstart, $3  }
0xcc: {  	[dreg:$0x1] =	wrdreg $0xFFFFFFFF  }
0xcd: {  	_ =	task.clear_ibuf [dreg:s12], $0x2FFFF;
	_ =	strace $0x9FFFFFFF  }
0xce: {  	(tm) =	ssettm $0x7FFFFFFF  }
0xcf: {  	_ =	shalt  }
tec
execute0_lowered:
.L_overlay_start_1:
0x0: {  	(tag) =	ssettag $0x1  }
0x1: {  	s0 =	rddreg [dreg:$0x0]  }
0x2: {  	s2 =	rddreg [dreg:$0x1]  }
0x3: {  	s5 =	rddreg [dreg:$0x2]  }
0x4: {  	s9 =	rddreg [dreg:$0x3]  }
0x5: {  	s3 =	srdreg.scid;
	s12 =	rddreg [dreg:$0x4]  }
0x6: {  	s1 =	stileid.u32;
	s13 =	rddreg [dreg:$0x5]  }
0x7: {  	v0 =	vimm.s32 $0x32107654;
	s4 =	simm.s32 $0x0;
	s17 =	simm.s32 $0x100;
	s18 =	simm.s32 $0x6300  }
0x8: {  	v2 =	vimm.s32 $0x13121110;
	vm0 =	vcmask $0x2F10;
	s19 =	simm.s32 $0x3;
	s20 =	simm.s32 $0xFF80;
	s21 =	simm.s32 $0x2  }
0x9: {  	v4 =	vimm.s32 $0xB0A0908;
	vm12 =	vcmask $0x3F30;
	v5 =	vimm.s32 $0xF0E0D0C;
	s22 =	simm.s32 $0x1;
	s23 =	simm.s32 $0x0;
	s6 =	sand.u32 $0x1, s3  }
0xa: {  	v6 =	vimm.s32 $0xFEDCBA98;
	v7 =	vimm.s32 $0x76543210;
	s28 =	sshll.u32 s1, $0x1;
	v0 =	vunpack.c.l.s4.s8 v0;
	s3 =	rddreg [dreg:$0x6];
	s8 =	sshrl.u32 s1, $0x1  }
0xb: {  	v8 =	vimm.s32 $0x3020100;
	vm13 =	vcmask $0x1F10;
	vm14 =	vcmask $0xF00;
	[smem:$0x7FF] =	sst s4;
	s15 =	sor.u32 s6, s28;
	s8 =	smul.u32 $0x1E848, s8  }
0xc: {  	vm15 =	vcmask $0x2F00;
	v3 =	vunpack.c.0.s8.s32 v2;
	s6 =	ssub.s32 $0x2, s6;
	_ =	strace $0x80000047;
	s14 =	smul.u32 $0x1388, s15;
	v1 =	vunpack.c.0.s8.s32 v0  }
0xd: {  	v4 =	vunpack.c.0.s8.s32 v4;
	v6 =	vunpack.c.l.s4.s8 v6;
	v5 =	vunpack.c.0.s8.s32 v5;
	s7 =	sand.u32 $0x3, s15;
	s10 =	sshrl.u32 s6, $0x1;
	s11 =	smul.u32 $0x7D0, s15  }
0xe: {  	v7 =	vunpack.c.l.s4.s8 v7;
	p0 =	sgt.u32 s15, $0x18;
	s15 =	simm.s32 $0x4;
	v0 =	vmov s7;
	s7 =	smul.u32 $0xF4240, s7;
	v2 =	vand.u32 $0xF, v1  }
0xf: {  	v8 =	vunpack.c.0.s8.s32 v8;
	v5 =	vsel vm13, v3, v5;
	s16 =	ssub.s32 s6, s10;
	s5 =	sadd.s32 s5, s14;
	s12 =	sadd.s32 s12, s14;
	v2 =	vsel vm0, v2, v3  }
.Ltmp0:
0x10: {  	s13 =	sadd.s32 s13, s14;
	s29 =	sadd.s32 s8, s7;
	v2 =	vsel vm12, v4, v2;
	v4 =	vunpack.c.0.s8.s32 v6;
	v6 =	vunpack.c.0.s8.s32 v7;
	(pc) =	sbr.rel .LBB2_1-.Ltmp0, $4  }
0x11: {  	v1 =	vlaneseq.u32;
	s14 =	smax.u32 s16, $0x1;
	s16 =	simm.s32 $0x80;
	s8 =	sadd.s32 $0x61A8, s29;
	v7 =	vsel vm13, v8, v3;
	v8 =	vimm.s32 $0x1  }
0x12: {  	s7 =	sshrl.u32 s29, $0x3;
	s30 =	sadd.s32 $0x124F8, s29;
	s31 =	sshrl.u32 s8, $0x3;
	v4 =	vand.u32 $0xF, v4;
	v3 =	vcombine.low v5, v6;
	v5 =	vsel vm14, $0x0, v8  }
0x13: {  	s6 =	sadd.s32 s9, s7;
	s10 =	sshrl.u32 s30, $0x3;
	s7 =	sadd.s32 s9, s31;
	v8 =	vimm.s32 $0x3;
	v4 =	vcombine.low v4, v7;
	v7 =	vshrl.u32 v1, $0x3  }
0x14: {  	s8 =	sadd.s32 $0x186A, s6;
	s9 =	sadd.s32 s9, s10;
	s10 =	sadd.s32 $0x30D4, s6;
	v6 =	vadd.s32 $0x4, v1;
	v8 =	vsel vm15, $0x2, v8;
	v7 =	vadd.s32 $0x1, v7  }
.LBB2_6:
0x15: {  	[tilespmem:s24+$0x0] =	vst v10  }
0x16: {  	[tilespmem:s24+$0x10] =	vst v9  }
0x17: {  	[hbm4b:s12+s4] =	stream.linear.scatter [tilespmem:s18], [sflag:$0x2], $0x9C40, $0x38;
	[tilespmem:$0x19C00] =	vst v63  }
0x18: {  	_ =	swait.ge [sflag:s19], $0x9C40  }
0x19: {  	[sflag:s19] =	ssyncset.done $0x0  }
0x1a: {  	[sflag:s19] =	ssyncadd.s32 $0xFFFF63C0  }
0x1b: {  	[hbm4b:s13+s4] =	stream.linear.scatter [tilespmem:s20], [sflag:$0x3], $0x9C40, $0x38;
	[tilespmem:$0x19C00] =	vst v63  }
0x1c: {  	_ =	swait.ge [sflag:s19], $0x9C40  }
0x1d: {  	[sflag:s19] =	ssyncset.done $0x0  }
0x1e: {  	[sflag:s19] =	ssyncadd.s32 $0xFFFF63C0  }
0x1f: {  	_ =	swait.ge [sflag:s21], $0x9C40  }
0x20: {  	[sflag:s21] =	ssyncset.done $0x0  }
0x21: {  	[sflag:s21] =	ssyncadd.s32 $0xFFFF63C0  }
.LBB2_7:
0x22: {  	_ =	swait.ge [sflag:s22], $0x61A8  }
0x23: {  	[sflag:s22] =	ssyncset.done $0x0  }
0x24: {  	[sflag:s22] =	ssyncadd.s32 $0xFFFF9E58  }
0x25: {  	_ =	swait.ge [sflag:s22], $0x61A8  }
0x26: {  	[sflag:s22] =	ssyncset.done $0x0  }
0x27: {  	[sflag:s22] =	ssyncadd.s32 $0xFFFF9E58  }
0x28: {  	_ =	swait.ge [sflag:s22], $0x61A8  }
0x29: {  	[sflag:s22] =	ssyncset.done $0x0  }
0x2a: {  	s23 =	sadd.s32 $0x1, s23;
	[sflag:s22] =	ssyncadd.s32 $0xFFFF9E58  }
0x2b: {  	p1 =	sne.s32 s23, s14;
	_ =	swait.ge [sflag:s22], $0x61A8  }
.Ltmp1:
0x2c: {  	[sflag:s22] =	ssyncset.done $0x0;
	(pc) =	sbr.rel @!p1 .LBB2_8-.Ltmp1, $4  }
0x2d: {  	[sflag:s22] =	ssyncadd.s32 $0xFFFF9E58  }
0x2e: {  	_ =	swait.ge [sflag:s22], $0x61A8  }
0x2f: {  	[sflag:s22] =	ssyncset.done $0x0  }
0x30: {  	[sflag:s22] =	ssyncadd.s32 $0xFFFF9E58  }
.LBB2_1:
0x31: {  	s24 =	simm.s32 @!p0 $0x0;
	s25 =	simm.s32 @!p0 $0xFF80  }
0x32: {  	[tilespmem:s25], [sflag:$0x3] =	stream.linear.gather @!p0 [hbm4b:s5+s24], $0x9C40, $0x38;
	[tilespmem:$0x19C00] =	vst v63  }
0x33: {  	_ = 	snop  }
0x34: {  	[tilespmem:s4], [sflag:$0x4] =	stream.linear.gather [hbm4b:s0+s4], $0x80, $0x38;
	[tilespmem:$0x19C00] =	vst v63  }
0x35: {  	_ =	swait.ge [sflag:s15], $0x80  }
0x36: {  	[sflag:s15] =	ssyncset.done $0x0  }
0x37: {  	[sflag:s15] =	ssyncadd.s32 $0xFFFFFF80  }
0x38: {  	[tilespmem:s16], [sflag:$0x4] =	stream.linear.gather [hbm4b:s2+s4], $0x80, $0x38;
	[tilespmem:$0x19C00] =	vst v63  }
0x39: {  	_ =	swait.ge [sflag:s15], $0x80  }
0x3a: {  	[sflag:s15] =	ssyncset.done $0x0  }
0x3b: {  	[sflag:s15] =	ssyncadd.s32 $0xFFFFFF80  }
0x3c: {  	v13 =	vld.idx.msk [tilespmem:v6+s16+$0x0], $0xffff  }
0x3d: {  	v12 =	vld.idx.msk [tilespmem:v4+s16+$0x0], $0xffff  }
0x3e: {  	v11 =	vld.idx.msk [tilespmem:v3+s16+$0x0], $0xffff  }
0x3f: {  	v9 =	vld.idx.msk [tilespmem:v1+s16+$0x0], $0xffff  }
0x40: {  	v10 =	vld.idx.msk [tilespmem:v2+s16+$0x0], $0xffff  }
0x41: {  	v13 =	vshll.u32 v13, $0x2  }
0x42: {  	v12 =	vshll.u32 v12, $0x2;
	v13 =	vor.u32 v0, v13  }
0x43: {  	v11 =	vshll.u32 v11, $0x2;
	v12 =	vor.u32 v0, v12  }
0x44: {  	v9 =	vshll.u32 v9, $0x2;
	v11 =	vor.u32 v0, v11  }
0x45: {  	v10 =	vshll.u32 v10, $0x2;
	v9 =	vor.u32 v0, v9  }
0x46: {  	v10 =	vor.u32 v0, v10  }
0x47: {  	v13 =	vld.idx.msk [tilespmem:v13+s4+$0x0], $0xffff  }
0x48: {  	v12 =	vld.idx.msk [tilespmem:v12+s4+$0x0], $0xffff  }
0x49: {  	v11 =	vld.idx.msk [tilespmem:v11+s4+$0x0], $0xffff  }
0x4a: {  	v9 =	vld.idx.msk [tilespmem:v9+s4+$0x0], $0xffff  }
0x4b: {  	s25 =	simm.s32 $0x140;
	s24 =	simm.s32 $0x0;
	v10 =	vld.idx.msk [tilespmem:v10+s4+$0x0], $0xffff  }
.LBB2_2:
0x4c: {  	p1 =	sne.s32 s25, $0x18600;
	[tilespmem:s24+$0x140] =	vst v13;
	s26 =	smov.u32 s25;
	s25 =	sadd.s32 $0x140, s25  }
.Ltmp2:
0x4d: {  	[tilespmem:s24+$0x130] =	vst v12;
	(pc) =	sbr.rel @p1 .LBB2_2-.Ltmp2, $4  }
0x4e: {  	[tilespmem:s24+$0x120] =	vst v11  }
0x4f: {  	[tilespmem:s24+$0x100] =	vst v9  }
0x50: {  	[tilespmem:s24+$0x110] =	vst v10  }
0x51: {  	s24 =	sshra.s32 s26, $0x2  }
0x52: {  	[tilespmem:s24+$0x140] =	vst v13  }
0x53: {  	[tilespmem:s24+$0x130] =	vst v12  }
0x54: {  	[tilespmem:s24+$0x120] =	vst v11  }
0x55: {  	[tilespmem:s24+$0x100] =	vst v9  }
0x56: {  	[tilespmem:s24+$0x110] =	vst v10;
	s25 =	simm.s32 $0x0  }
0x57: {  	[hbm4b:s6+s25] =	stream.linear.scatter [tilespmem:s17], [sflag:$0x1], $0x61A8, $0x38;
	[tilespmem:$0x19C00] =	vst v63  }
0x58: {  	_ = 	snop  }
0x59: {  	[hbm4b:s7+s25] =	stream.linear.scatter [tilespmem:s17], [sflag:$0x1], $0x61A8, $0x38;
	[tilespmem:$0x19C00] =	vst v63  }
0x5a: {  	_ = 	snop  }
0x5b: {  	[hbm4b:s8+s25] =	stream.linear.scatter [tilespmem:s17], [sflag:$0x1], $0x61A8, $0x38;
	[tilespmem:$0x19C00] =	vst v63  }
.Ltmp3:
0x5c: {  	_ = 	snop;
	(pc) =	sbr.rel @p0 .LBB2_7-.Ltmp3, $4  }
0x5d: {  	_ = 	snop  }
0x5e: {  	[hbm4b:s9+s25] =	stream.linear.scatter [tilespmem:s17], [sflag:$0x1], $0x61A8, $0x38;
	[tilespmem:$0x19C00] =	vst v63  }
0x5f: {  	s24 =	simm.s32 $0x6320  }
0x60: {  	[hbm4b:s10+s25] =	stream.linear.scatter [tilespmem:s17], [sflag:$0x1], $0x61A8, $0x38;
	[tilespmem:$0x19C00] =	vst v63  }
0x61: {  	s26 =	sadd.s32 s25, s11  }
0x62: {  	v9 =	vmov s26  }
0x63: {  	v11 =	vor.u32 s26, v5;
	[tilespmem:s24+$0xFFFFFFE0] =	vst v9  }
0x64: {  	v10 =	vor.u32 $0x3, v9;
	[tilespmem:s24+$0xFFFFFFF0] =	vst v11  }
0x65: {  	s25 =	sadd.s32 $0x4, s25;
	v9 =	vor.u32 s26, v8;
	[tilespmem:s24+$0x20] =	vst v10;
	v10 =	vor.u32 s26, v7  }
.LBB2_5:
0x66: {  	s26 =	sadd.s32 s25, s11;
	p1 =	sne.s32 s25, $0x7CC;
	s25 =	sadd.s32 $0x4, s25;
	[tilespmem:s24+$0x0] =	vst v10  }
.Ltmp4:
0x67: {  	v11 =	vmov s26;
	v12 =	vor.u32 s26, v5;
	v10 =	vor.u32 s26, v7;
	[tilespmem:s24+$0x10] =	vst v9;
	(pc) =	sbr.rel @p1 .LBB2_5-.Ltmp4, $4  }
0x68: {  	v9 =	vor.u32 s26, v8;
	s24 =	sadd.s32 $0x50, s24;
	v13 =	vor.u32 $0x3, v11  }
0x69: {  	[tilespmem:s24+$0x20] =	vst v13  }
0x6a: {  	[tilespmem:s24+$0xFFFFFFE0] =	vst v11  }
0x6b: {  	[tilespmem:s24+$0xFFFFFFF0] =	vst v12  }
.Ltmp5:
0x6c: {  	_ = 	snop;
	(pc) =	sbr.rel .LBB2_6-.Ltmp5, $1  }
0x6d: {  	_ =	sdelay $0x3  }
.LBB2_8:
0x6e: {  	_ =	sfence.sel $0x180000  }
0x6f: {  	[bflag:$0x0] =	sbarrier.arrive $0xFFFF  }
0x70: {  	p0 =	sne.s32 s1, $0x0;
	_ =	strace $0x90000047  }
0x71: {  	s0 =	sadd.s32 @!p0 $0x100000, s3;
	[bflag:$0x2] =	sbarrier.arrive $0xFFFF  }
0x72: {  	[sflag:s0] =	ssyncadd.tile.s32 @!p0 $0x1;
	_ =	shalt  }
.Lfunc_end2:
_tile_overlayer_lowered:
.L_overlay_start_2:
0x73: {  	(tag) =	ssettag $0x2  }
0x74: {  	s0 =	rddreg [dreg:$0x0];
	s2 =	stileid.u32  }
0x75: {  	s1 =	rddreg [dreg:$0x1];
	p0 =	sne.s32 s2, $0x0  }
0x76: {  	s3 =	rddreg [dreg:$0x2];
	[bflag:$0x3] =	sbarrier.arrive $0xFFFF;
	s2 =	simm.s32 @!p0 $0x1C04  }
0x77: {  	[timem:s3], [sflag:s2] =	dma.local @!p0 [hbm:s0], s1  }
0x78: {  	s0 =	simm.s32 @!p0 $0x4  }
0x79: {  	_ =	swait.ge @!p0 [sflag:s0], s1  }
0x7a: {  	s1 =	ssub.s32 @!p0 $0x0, s1;
	[sflag:s0] =	ssyncset.done @!p0 $0x0  }
0x7b: {  	[sflag:s0] =	ssyncadd.s32 @!p0 s1  }
0x7c: {  	[bflag:$0x3] =	sbarrier.arrive $0xFFFF  }
0x7d: {  	_ =	shalt  }

</sc_bundles>
